<compile_context>
chip_gen: v7x
topology: tpu7x:2x2x1
jax: 0.10.2.dev20260603
libtpu: 0.0.44.dev20260713+nightly
codegen_flags: <defaults>
</compile_context>

<pallas_src>
import jax
import jax.numpy as jnp
from jax import lax
from jax.experimental import pallas as pl
from jax.experimental.pallas import tpu as pltpu
from jax.experimental.pallas import tpu_sc as plsc

N_ROWS = 65536
DIM = 256
NC = 2
NS = 16
NW = NC * NS
SLAB = N_ROWS // NW
CHUNK = 128
NCHUNK = SLAB // CHUNK
NBUF = 3
VSEG = SLAB // 16
UNROLL = 8
MBLK = 8192
NMB = N_ROWS // MBLK


def _body(states_hbm, mask_hbm, out_hbm, msk_v, idx_v, ring_v,
          gsem, wsem, msem):
    c = lax.axis_index("c")
    s = lax.axis_index("s")
    wid = s * NC + c
    out_base = wid * SLAB
    iota = lax.iota(jnp.int32, 16)
    zerof = jnp.zeros((16,), jnp.float32)

    def _rbuf(cc):
        off = pl.multiple_of((cc % NBUF) * CHUNK, CHUNK)
        return ring_v.at[pl.ds(off, CHUNK)]

    def _mbuf(blk):
        off = pl.multiple_of((blk % 2) * MBLK, 8)
        return msk_v.at[pl.ds(off, MBLK)]

    def _count_block(buf):
        def _sum(i, accs):
            base = i * UNROLL * 16
            return tuple(
                accs[u] + buf[pl.ds(base + u * 16, 16)]
                for u in range(UNROLL)
            )
        accs = lax.fori_loop(0, MBLK // 16 // UNROLL, _sum,
                             (jnp.zeros((16,), jnp.int32),) * UNROLL)
        acc = accs[0]
        for u in range(1, UNROLL):
            acc = acc + accs[u]
        return jnp.sum(acc)

    pltpu.async_copy(mask_hbm.at[pl.ds(0, MBLK)], _mbuf(0), msem)

    def _cnt(blk, total):
        buf = _mbuf(blk)
        pltpu.make_async_copy(mask_hbm.at[pl.ds(0, MBLK)], buf, msem).wait()

        @pl.when(blk + 1 < NMB)
        def _():
            pltpu.async_copy(
                mask_hbm.at[pl.ds((blk + 1) * MBLK, MBLK)],
                _mbuf(blk + 1), msem)
        return total + _count_block(buf)

    total = lax.fori_loop(0, NMB, _cnt, jnp.int32(0))

    def _gather(cc):
        src = pl.multiple_of(out_base + cc * CHUNK, CHUNK)
        return pltpu.async_copy(
            states_hbm.at[pl.ds(src, CHUNK)], _rbuf(cc), gsem)

    def _put(cc):
        dst = pl.multiple_of(out_base + cc * CHUNK, CHUNK)
        return pltpu.async_copy(
            _rbuf(cc), out_hbm.at[pl.ds(dst, CHUNK)], wsem)

    def _gwait(cc):
        pltpu.make_async_copy(
            states_hbm.at[pl.ds(out_base, CHUNK)], _rbuf(cc), gsem).wait()

    def _wwait(cc):
        pltpu.make_async_copy(
            _rbuf(cc), out_hbm.at[pl.ds(out_base, CHUNK)], wsem).wait()

    _gather(0)
    _gather(1)

    def _ring(cc, carry):
        _gwait(cc)

        @pl.when(cc + 2 < NCHUNK)
        def _():
            @pl.when(cc >= 1)
            def _():
                _wwait(cc - 1)
            _gather(cc + 2)
        _put(cc)
        return carry

    lax.fori_loop(0, NCHUNK, _ring, 0)
    for k in range(NCHUNK - 3, NCHUNK):
        _wwait(k)

    q = jnp.clip(total - out_base, 0, SLAB)

    @pl.when(total < N_ROWS)
    def _general():
        def _zi(i, carry):
            idx_v[pl.ds(i * 16, 16)] = jnp.zeros((16,), jnp.int32)
            return carry
        lax.fori_loop(0, SLAB // 16, _zi, 0)

        seg_v = msk_v.at[pl.ds(0, SLAB)]

        def _seg(sg, seg_prefix):
            seg_base = sg * SLAB
            pltpu.sync_copy(mask_hbm.at[pl.ds(seg_base, SLAB)], seg_v)

            def _sum(i, accs):
                base = i * UNROLL * 16
                return tuple(
                    accs[u] + seg_v[pl.ds(base + u * 16, 16)]
                    for u in range(UNROLL)
                )
            accs = lax.fori_loop(0, VSEG // UNROLL, _sum,
                                 (jnp.zeros((16,), jnp.int32),) * UNROLL)
            acc = accs[0]
            for u in range(1, UNROLL):
                acc = acc + accs[u]
            cnt = jnp.sum(acc)

            overlap = ((seg_prefix < out_base + SLAB)
                       & (seg_prefix + cnt > out_base))

            @pl.when(overlap)
            def _compact():
                def _cmp(i, off):
                    m = seg_v[pl.ds(i * 16, 16)]
                    mb = m != 0
                    incl = plsc.cumsum(m)
                    pos = seg_prefix + off + incl - m - out_base
                    ids = seg_base + i * 16 + iota
                    keep = mb & (pos >= 0) & (pos < SLAB)
                    plsc.store_scatter(idx_v, [pos], ids, mask=keep)
                    return off + jnp.max(incl)
                lax.fori_loop(0, VSEG, _cmp, jnp.int32(0))

            return seg_prefix + cnt

        lax.fori_loop(0, NW, _seg, jnp.int32(0))

        buf0 = ring_v.at[pl.ds(0, CHUNK)]

        def _write(cc, src_ref):
            pltpu.async_copy(src_ref, buf0, gsem).wait()
            dst = pl.multiple_of(out_base + cc * CHUNK, CHUNK)
            pltpu.async_copy(buf0, out_hbm.at[pl.ds(dst, CHUNK)],
                             wsem).wait()

        nfull = q // CHUNK

        def _cp(cc, carry):
            _write(cc, states_hbm.at[idx_v.at[pl.ds(cc * CHUNK, CHUNK)]])
            return carry
        lax.fori_loop(0, nfull, _cp, 0)

        tail = q - nfull * CHUNK

        @pl.when(tail > 0)
        def _mixed():
            pltpu.async_copy(
                states_hbm.at[idx_v.at[pl.ds(nfull * CHUNK, CHUNK)]],
                buf0, gsem).wait()

            def _zrow(r, carry):
                for k in range(DIM // 16):
                    buf0[r, pl.ds(k * 16, 16)] = zerof
                return carry
            lax.fori_loop(tail, CHUNK, _zrow, 0)
            dst = pl.multiple_of(out_base + nfull * CHUNK, CHUNK)
            pltpu.async_copy(
                buf0, out_hbm.at[pl.ds(dst, CHUNK)], wsem).wait()

        cz0 = nfull + jnp.where(tail > 0, 1, 0)

        @pl.when(cz0 < NCHUNK)
        def _zeros():
            def _zrow(r, carry):
                for k in range(DIM // 16):
                    buf0[r, pl.ds(k * 16, 16)] = zerof
                return carry
            lax.fori_loop(0, CHUNK, _zrow, 0)

            def _zc(cc, carry):
                dst = pl.multiple_of(out_base + cc * CHUNK, CHUNK)
                pltpu.async_copy(
                    buf0, out_hbm.at[pl.ds(dst, CHUNK)], wsem).wait()
                return carry
            lax.fori_loop(cz0, NCHUNK, _zc, 0)


_mesh = plsc.VectorSubcoreMesh(core_axis_name="c", subcore_axis_name="s")

_sc_gather = pl.kernel(
    _body,
    out_type=jax.ShapeDtypeStruct((N_ROWS, DIM), jnp.float32),
    mesh=_mesh,
    compiler_params=pltpu.CompilerParams(needs_layout_passes=False),
    scratch_types=[
        pltpu.VMEM((2 * MBLK,), jnp.int32),
        pltpu.VMEM((SLAB,), jnp.int32),
        pltpu.VMEM((NBUF * CHUNK, DIM), jnp.float32),
        pltpu.SemaphoreType.DMA,
        pltpu.SemaphoreType.DMA,
        pltpu.SemaphoreType.DMA,
    ],
)


@jax.jit
def kernel(states, active_mask):
    return _sc_gather(states, active_mask.astype(jnp.int32))

# --- scband reference (transcript-rebuilt; emitter-appended) ---
"""Pipeline reference for scband-state-manager-14087492730890 (READ-ONLY COPY).

The authoritative reference and input builder live on the scoring server;
editing this copy changes nothing except your own understanding.
"""

import jax, jax.numpy as jnp
import numpy as np

MAX_STATES = 65536
STATE_DIM = 256

def setup_inputs(seed: int = 0) -> dict:
    key = jax.random.key(seed)
    k1, k2 = jax.random.split(key)
    # states initialized like nn.init.normal_(mean=0.0, std=0.1)
    states = jax.random.normal(k1, (MAX_STATES, STATE_DIM), dtype=jnp.float32) * 0.1
    # initial_states == max_states -> all slots active
    active_mask = jnp.ones((MAX_STATES,), dtype=bool)
    return {"states": states, "active_mask": active_mask}

def reference(states, active_mask):
    # StateManager.forward: return self.states[self.active_mask]
    # boolean-mask gather over the state memory table
    n = active_mask.shape[0]
    positions = jnp.cumsum(active_mask.astype(jnp.int32)) - 1
    num_active = jnp.sum(active_mask.astype(jnp.int32))
    row_ids = jnp.arange(n, dtype=jnp.int32)
    dest = jnp.where(active_mask, positions, n)
    src = jnp.zeros((n + 1,), dtype=jnp.int32).at[dest].set(row_ids)[:n]
    gathered = states[src]
    valid = (jnp.arange(n) < num_active)[:, None]
    return jnp.where(valid, gathered, jnp.zeros((), dtype=states.dtype))

if __name__ == "__main__":
    import jax
    _d = setup_inputs()
    print(jax.jit(kernel)(*tuple(_d.values())))

</pallas_src>

<mosaic_0001>
#map = affine_map<(d0, d1) -> (0, 0)>
#map1 = affine_map<(d0, d1) -> (0)>
module attributes {stable_mosaic.version = 14 : i64} {
  func.func @_body(%arg0: i32, %arg1: i32, %arg2: memref<65536x256xf32, #tpu.memory_space<hbm>>, %arg3: memref<65536xi32, #tpu.memory_space<hbm>>, %arg4: memref<65536x256xf32, #tpu.memory_space<hbm>>, %arg5: memref<16384xi32, #tpu.memory_space<vmem>>, %arg6: memref<2048xi32, #tpu.memory_space<vmem>>, %arg7: memref<384x256xf32, #tpu.memory_space<vmem>>, %arg8: memref<!tpu.dma_semaphore, #tpu.memory_space<semaphore_mem>>, %arg9: memref<!tpu.dma_semaphore, #tpu.memory_space<semaphore_mem>>, %arg10: memref<!tpu.dma_semaphore, #tpu.memory_space<semaphore_mem>>) attributes {dimension_semantics = [#tpu.dimension_semantics<core_parallel>, #tpu.dimension_semantics<subcore_parallel>], iteration_bounds = array<i64: 2, 16>, scalar_prefetch = 0 : i64, scratch_operands = 6 : i64, tpu.core_type = #tpu.core_type<sc_vector_subcore>, window_params = [{transform_indices = #map}, {transform_indices = #map1}, {transform_indices = #map}]} {
    %mul3A = arith.constant 2 : i32
    %mul3A_0 = arith.muli %arg1, %mul3A : i32
    %add3A = arith.addi %mul3A_0, %arg0 : i32
    %mul3A_1 = arith.constant 2048 : i32
    %mul3A_2 = arith.muli %add3A, %mul3A_1 : i32
    %iota3A = tpu.iota {dimensions = array<i32: 0>} : vector<16xi32>
    %broadcast_in_dim3A = arith.constant 0.000000e+00 : f32
    %broadcast_in_dim3A_3 = vector.broadcast %broadcast_in_dim3A : f32 to vector<16xf32>
    %multiple_of3A = arith.constant 0 : i32
    %multiple_of3A_4 = tpu.assume_multiple %multiple_of3A, 8 : i32
    %dma_start3A = tpu.memref_slice %arg5[%multiple_of3A_4] : memref<16384xi32, #tpu.memory_space<vmem>> -> memref<8192xi32, #tpu.memory_space<vmem>>
    %dma_start3A_5 = arith.constant 0 : i32
    %dma_start3A_6 = tpu.memref_slice %arg3[%dma_start3A_5] : memref<65536xi32, #tpu.memory_space<hbm>> -> memref<8192xi32, #tpu.memory_space<hbm>>
    %dma_start3A_7 = tpu.memref_slice %arg5[%multiple_of3A_4] : memref<16384xi32, #tpu.memory_space<vmem>> -> memref<8192xi32, #tpu.memory_space<vmem>>
    %dma_start3A_8 = arith.constant 0 : i32
    %dma_start3A_9 = tpu.memref_slice %arg3[%dma_start3A_8] : memref<65536xi32, #tpu.memory_space<hbm>> -> memref<8192xi32, #tpu.memory_space<hbm>>
    tpu.enqueue_dma source(%dma_start3A_9 : memref<8192xi32, #tpu.memory_space<hbm>>) target(%dma_start3A_7 : memref<8192xi32, #tpu.memory_space<vmem>>) target_semaphore(%arg10 : memref<!tpu.dma_semaphore, #tpu.memory_space<semaphore_mem>>)
    %scan3A = arith.constant 0 : i32
    %scan3A_10 = arith.constant 0 : i32
    %scan3A_11 = arith.constant 8 : i32
    %scan3A_12 = arith.addi %scan3A_10, %scan3A_11 : i32
    %scan3A_13 = arith.constant 1 : i32
    %scan3A_14 = scf.for %scan3A_80 = %scan3A_10 to %scan3A_12 step %scan3A_13 iter_args(%scan3A_81 = %scan3A) -> (i32)  : i32 {
      %jit3A_82 = arith.constant 2 : i32
      %eq3A = arith.constant 0 : i32
      %eq3A_83 = arith.cmpi eq, %jit3A_82, %eq3A : i32
      %jit3A_84 = arith.constant 1 : i32
      %select_n3A = arith.select %eq3A_83, %jit3A_84, %jit3A_82 : i32
      %rem3A = arith.remsi %scan3A_80, %select_n3A : i32
      %ne3A = arith.constant 0 : i32
      %ne3A_85 = arith.cmpi ne, %rem3A, %ne3A : i32
      %lt3A_86 = arith.constant 0 : i32
      %lt3A_87 = arith.cmpi slt, %rem3A, %lt3A_86 : i32
      %lt3A_88 = arith.constant 0 : i32
      %lt3A_89 = arith.cmpi slt, %select_n3A, %lt3A_88 : i32
      %ne3A_90 = arith.xori %lt3A_87, %lt3A_89 : i1
      %and3A = arith.andi %ne3A_90, %ne3A_85 : i1
      %add3A_91 = arith.addi %rem3A, %select_n3A : i32
      %select_n3A_92 = arith.select %and3A, %add3A_91, %rem3A : i32
      %mul3A_93 = arith.constant 8192 : i32
      %mul3A_94 = arith.muli %select_n3A_92, %mul3A_93 : i32
      %multiple_of3A_95 = tpu.assume_multiple %mul3A_94, 8 : i32
      %dma_wait3A_96 = tpu.memref_slice %arg5[%multiple_of3A_95] : memref<16384xi32, #tpu.memory_space<vmem>> -> memref<8192xi32, #tpu.memory_space<vmem>>
      %dma_wait3A_97 = arith.constant 0 : i32
      %dma_wait3A_98 = tpu.memref_slice %arg3[%dma_wait3A_97] : memref<65536xi32, #tpu.memory_space<hbm>> -> memref<8192xi32, #tpu.memory_space<hbm>>
      %dma_wait3A_99 = tpu.memref_slice %arg5[%multiple_of3A_95] : memref<16384xi32, #tpu.memory_space<vmem>> -> memref<8192xi32, #tpu.memory_space<vmem>>
      %dma_wait3A_100 = arith.constant 0 : i32
      %dma_wait3A_101 = tpu.memref_slice %arg3[%dma_wait3A_100] : memref<65536xi32, #tpu.memory_space<hbm>> -> memref<8192xi32, #tpu.memory_space<hbm>>
      tpu.wait_dma2 semaphore(%arg10 : memref<!tpu.dma_semaphore, #tpu.memory_space<semaphore_mem>>) src(%dma_wait3A_101 : memref<8192xi32, #tpu.memory_space<hbm>>) dst(%dma_wait3A_99 : memref<8192xi32, #tpu.memory_space<vmem>>)
      %add3A_102 = arith.constant 1 : i32
      %add3A_103 = arith.addi %scan3A_80, %add3A_102 : i32
      %lt3A_104 = arith.constant 8 : i32
      %lt3A_105 = arith.cmpi slt, %add3A_103, %lt3A_104 : i32
      %convert_element_type3A_106 = arith.extui %lt3A_105 : i1 to i32
      %cond3A_107 = arith.constant 0 : i32
      %cond3A_108 = arith.cmpi ne, %convert_element_type3A_106, %cond3A_107 : i32
      scf.if %cond3A_108 {
        %add3A_128 = arith.constant 1 : i32
        %add3A_129 = arith.addi %scan3A_80, %add3A_128 : i32
        %mul3A_130 = arith.constant 8192 : i32
        %mul3A_131 = arith.muli %add3A_129, %mul3A_130 : i32
        %add3A_132 = arith.constant 1 : i32
        %add3A_133 = arith.addi %scan3A_80, %add3A_132 : i32
        %jit3A_134 = arith.constant 2 : i32
        %eq3A_135 = arith.constant 0 : i32
        %eq3A_136 = arith.cmpi eq, %jit3A_134, %eq3A_135 : i32
        %jit3A_137 = arith.constant 1 : i32
        %select_n3A_138 = arith.select %eq3A_136, %jit3A_137, %jit3A_134 : i32
        %rem3A_139 = arith.remsi %add3A_133, %select_n3A_138 : i32
        %ne3A_140 = arith.constant 0 : i32
        %ne3A_141 = arith.cmpi ne, %rem3A_139, %ne3A_140 : i32
        %lt3A_142 = arith.constant 0 : i32
        %lt3A_143 = arith.cmpi slt, %rem3A_139, %lt3A_142 : i32
        %lt3A_144 = arith.constant 0 : i32
        %lt3A_145 = arith.cmpi slt, %select_n3A_138, %lt3A_144 : i32
        %ne3A_146 = arith.xori %lt3A_143, %lt3A_145 : i1
        %and3A_147 = arith.andi %ne3A_146, %ne3A_141 : i1
        %add3A_148 = arith.addi %rem3A_139, %select_n3A_138 : i32
        %select_n3A_149 = arith.select %and3A_147, %add3A_148, %rem3A_139 : i32
        %mul3A_150 = arith.constant 8192 : i32
        %mul3A_151 = arith.muli %select_n3A_149, %mul3A_150 : i32
        %multiple_of3A_152 = tpu.assume_multiple %mul3A_151, 8 : i32
        %dma_start3A_153 = tpu.memref_slice %arg5[%multiple_of3A_152] : memref<16384xi32, #tpu.memory_space<vmem>> -> memref<8192xi32, #tpu.memory_space<vmem>>
        %dma_start3A_154 = tpu.memref_slice %arg3[%mul3A_131] : memref<65536xi32, #tpu.memory_space<hbm>> -> memref<8192xi32, #tpu.memory_space<hbm>>
        %dma_start3A_155 = tpu.memref_slice %arg5[%multiple_of3A_152] : memref<16384xi32, #tpu.memory_space<vmem>> -> memref<8192xi32, #tpu.memory_space<vmem>>
        %dma_start3A_156 = tpu.memref_slice %arg3[%mul3A_131] : memref<65536xi32, #tpu.memory_space<hbm>> -> memref<8192xi32, #tpu.memory_space<hbm>>
        tpu.enqueue_dma source(%dma_start3A_156 : memref<8192xi32, #tpu.memory_space<hbm>>) target(%dma_start3A_155 : memref<8192xi32, #tpu.memory_space<vmem>>) target_semaphore(%arg10 : memref<!tpu.dma_semaphore, #tpu.memory_space<semaphore_mem>>)
      } else {
      }
      %broadcast_in_dim3A_109 = arith.constant 0 : i32
      %broadcast_in_dim3A_110 = vector.broadcast %broadcast_in_dim3A_109 : i32 to vector<16xi32>
      %scan3A_111 = arith.constant 0 : i32
      %scan3A_112 = arith.constant 64 : i32
      %scan3A_113 = arith.addi %scan3A_111, %scan3A_112 : i32
      %scan3A_114 = arith.constant 1 : i32
      %scan3A_115:8 = scf.for %scan3A_128 = %scan3A_111 to %scan3A_113 step %scan3A_114 iter_args(%scan3A_129 = %broadcast_in_dim3A_110, %scan3A_130 = %broadcast_in_dim3A_110, %scan3A_131 = %broadcast_in_dim3A_110, %scan3A_132 = %broadcast_in_dim3A_110, %scan3A_133 = %broadcast_in_dim3A_110, %scan3A_134 = %broadcast_in_dim3A_110, %scan3A_135 = %broadcast_in_dim3A_110, %scan3A_136 = %broadcast_in_dim3A_110) -> (vector<16xi32>, vector<16xi32>, vector<16xi32>, vector<16xi32>, vector<16xi32>, vector<16xi32>, vector<16xi32>, vector<16xi32>)  : i32 {
        %mul3A_137 = arith.constant 8 : i32
        %mul3A_138 = arith.muli %scan3A_128, %mul3A_137 : i32
        %mul3A_139 = arith.constant 16 : i32
        %mul3A_140 = arith.muli %mul3A_138, %mul3A_139 : i32
        %add3A_141 = arith.constant 0 : i32
        %add3A_142 = arith.addi %mul3A_140, %add3A_141 : i32
        %get3A = tpu.memref_slice %arg5[%multiple_of3A_95] : memref<16384xi32, #tpu.memory_space<vmem>> -> memref<8192xi32, #tpu.memory_space<vmem>>
        %get3A_143 = arith.index_cast %add3A_142 : i32 to index
        %get3A_144 = tpu.vector_load %get3A[%get3A_143] {strides = array<i32>} : memref<8192xi32, #tpu.memory_space<vmem>>, vector<16xi32>,
        %add3A_145 = arith.addi %scan3A_129, %get3A_144 : vector<16xi32>
        %add3A_146 = arith.constant 16 : i32
        %add3A_147 = arith.addi %mul3A_140, %add3A_146 : i32
        %get3A_148 = tpu.memref_slice %arg5[%multiple_of3A_95] : memref<16384xi32, #tpu.memory_space<vmem>> -> memref<8192xi32, #tpu.memory_space<vmem>>
        %get3A_149 = arith.index_cast %add3A_147 : i32 to index
        %get3A_150 = tpu.vector_load %get3A_148[%get3A_149] {strides = array<i32>} : memref<8192xi32, #tpu.memory_space<vmem>>, vector<16xi32>,
        %add3A_151 = arith.addi %scan3A_130, %get3A_150 : vector<16xi32>
        %add3A_152 = arith.constant 32 : i32
        %add3A_153 = arith.addi %mul3A_140, %add3A_152 : i32
        %get3A_154 = tpu.memref_slice %arg5[%multiple_of3A_95] : memref<16384xi32, #tpu.memory_space<vmem>> -> memref<8192xi32, #tpu.memory_space<vmem>>
        %get3A_155 = arith.index_cast %add3A_153 : i32 to index
        %get3A_156 = tpu.vector_load %get3A_154[%get3A_155] {strides = array<i32>} : memref<8192xi32, #tpu.memory_space<vmem>>, vector<16xi32>,
        %add3A_157 = arith.addi %scan3A_131, %get3A_156 : vector<16xi32>
        %add3A_158 = arith.constant 48 : i32
        %add3A_159 = arith.addi %mul3A_140, %add3A_158 : i32
        %get3A_160 = tpu.memref_slice %arg5[%multiple_of3A_95] : memref<16384xi32, #tpu.memory_space<vmem>> -> memref<8192xi32, #tpu.memory_space<vmem>>
        %get3A_161 = arith.index_cast %add3A_159 : i32 to index
        %get3A_162 = tpu.vector_load %get3A_160[%get3A_161] {strides = array<i32>} : memref<8192xi32, #tpu.memory_space<vmem>>, vector<16xi32>,
        %add3A_163 = arith.addi %scan3A_132, %get3A_162 : vector<16xi32>
        %add3A_164 = arith.constant 64 : i32
        %add3A_165 = arith.addi %mul3A_140, %add3A_164 : i32
        %get3A_166 = tpu.memref_slice %arg5[%multiple_of3A_95] : memref<16384xi32, #tpu.memory_space<vmem>> -> memref<8192xi32, #tpu.memory_space<vmem>>
        %get3A_167 = arith.index_cast %add3A_165 : i32 to index
        %get3A_168 = tpu.vector_load %get3A_166[%get3A_167] {strides = array<i32>} : memref<8192xi32, #tpu.memory_space<vmem>>, vector<16xi32>,
        %add3A_169 = arith.addi %scan3A_133, %get3A_168 : vector<16xi32>
        %add3A_170 = arith.constant 80 : i32
        %add3A_171 = arith.addi %mul3A_140, %add3A_170 : i32
        %get3A_172 = tpu.memref_slice %arg5[%multiple_of3A_95] : memref<16384xi32, #tpu.memory_space<vmem>> -> memref<8192xi32, #tpu.memory_space<vmem>>
        %get3A_173 = arith.index_cast %add3A_171 : i32 to index
        %get3A_174 = tpu.vector_load %get3A_172[%get3A_173] {strides = array<i32>} : memref<8192xi32, #tpu.memory_space<vmem>>, vector<16xi32>,
        %add3A_175 = arith.addi %scan3A_134, %get3A_174 : vector<16xi32>
        %add3A_176 = arith.constant 96 : i32
        %add3A_177 = arith.addi %mul3A_140, %add3A_176 : i32
        %get3A_178 = tpu.memref_slice %arg5[%multiple_of3A_95] : memref<16384xi32, #tpu.memory_space<vmem>> -> memref<8192xi32, #tpu.memory_space<vmem>>
        %get3A_179 = arith.index_cast %add3A_177 : i32 to index
        %get3A_180 = tpu.vector_load %get3A_178[%get3A_179] {strides = array<i32>} : memref<8192xi32, #tpu.memory_space<vmem>>, vector<16xi32>,
        %add3A_181 = arith.addi %scan3A_135, %get3A_180 : vector<16xi32>
        %add3A_182 = arith.constant 112 : i32
        %add3A_183 = arith.addi %mul3A_140, %add3A_182 : i32
        %get3A_184 = tpu.memref_slice %arg5[%multiple_of3A_95] : memref<16384xi32, #tpu.memory_space<vmem>> -> memref<8192xi32, #tpu.memory_space<vmem>>
        %get3A_185 = arith.index_cast %add3A_183 : i32 to index
        %get3A_186 = tpu.vector_load %get3A_184[%get3A_185] {strides = array<i32>} : memref<8192xi32, #tpu.memory_space<vmem>>, vector<16xi32>,
        %add3A_187 = arith.addi %scan3A_136, %get3A_186 : vector<16xi32>
        scf.yield %add3A_145, %add3A_151, %add3A_157, %add3A_163, %add3A_169, %add3A_175, %add3A_181, %add3A_187 : vector<16xi32>, vector<16xi32>, vector<16xi32>, vector<16xi32>, vector<16xi32>, vector<16xi32>, vector<16xi32>, vector<16xi32>
      }
      %scan3A_116 = arith.constant 64 : i32
      %add3A_117 = arith.addi %scan3A_115#0, %scan3A_115#1 : vector<16xi32>
      %add3A_118 = arith.addi %add3A_117, %scan3A_115#2 : vector<16xi32>
      %add3A_119 = arith.addi %add3A_118, %scan3A_115#3 : vector<16xi32>
      %add3A_120 = arith.addi %add3A_119, %scan3A_115#4 : vector<16xi32>
      %add3A_121 = arith.addi %add3A_120, %scan3A_115#5 : vector<16xi32>
      %add3A_122 = arith.addi %add3A_121, %scan3A_115#6 : vector<16xi32>
      %add3A_123 = arith.addi %add3A_122, %scan3A_115#7 : vector<16xi32>
      %reduce_sum3A = arith.constant true
      %reduce_sum3A_124 = vector.broadcast %reduce_sum3A : i1 to vector<16xi1>
      %reduce_sum3A_125 = tpu.scan <sum>, %add3A_123 masked %reduce_sum3A_124 : vector<16xi32>, vector<16xi1> -> vector<16xi32>
      %reduce_sum3A_126 = vector.extract %reduce_sum3A_125[15] : i32 from vector<16xi32>
      %add3A_127 = arith.addi %scan3A_81, %reduce_sum3A_126 : i32
      scf.yield %add3A_127 : i32
    }
    %scan3A_15 = arith.constant 8 : i32
    %add3A_16 = arith.constant 0 : i32
    %add3A_17 = arith.addi %mul3A_2, %add3A_16 : i32
    %multiple_of3A_18 = tpu.assume_multiple %add3A_17, 128 : i32
    %multiple_of3A_19 = arith.constant 0 : i32
    %multiple_of3A_20 = tpu.assume_multiple %multiple_of3A_19, 128 : i32
    %dma_start3A_21 = arith.constant 0 : i32
    %dma_start3A_22 = tpu.memref_slice %arg7[%multiple_of3A_20, %dma_start3A_21] : memref<384x256xf32, #tpu.memory_space<vmem>> -> memref<128x256xf32, #tpu.memory_space<vmem>>
    %dma_start3A_23 = arith.constant 0 : i32
    %dma_start3A_24 = tpu.memref_slice %arg2[%multiple_of3A_18, %dma_start3A_23] : memref<65536x256xf32, #tpu.memory_space<hbm>> -> memref<128x256xf32, #tpu.memory_space<hbm>>
    %dma_start3A_25 = arith.constant 0 : i32
    %dma_start3A_26 = tpu.memref_slice %arg7[%multiple_of3A_20, %dma_start3A_25] : memref<384x256xf32, #tpu.memory_space<vmem>> -> memref<128x256xf32, #tpu.memory_space<vmem>>
    %dma_start3A_27 = arith.constant 0 : i32
    %dma_start3A_28 = tpu.memref_slice %arg2[%multiple_of3A_18, %dma_start3A_27] : memref<65536x256xf32, #tpu.memory_space<hbm>> -> memref<128x256xf32, #tpu.memory_space<hbm>>
    tpu.enqueue_dma source(%dma_start3A_28 : memref<128x256xf32, #tpu.memory_space<hbm>>) target(%dma_start3A_26 : memref<128x256xf32, #tpu.memory_space<vmem>>) target_semaphore(%arg8 : memref<!tpu.dma_semaphore, #tpu.memory_space<semaphore_mem>>)
    %add3A_29 = arith.constant 128 : i32
    %add3A_30 = arith.addi %mul3A_2, %add3A_29 : i32
    %multiple_of3A_31 = tpu.assume_multiple %add3A_30, 128 : i32
    %multiple_of3A_32 = arith.constant 128 : i32
    %multiple_of3A_33 = tpu.assume_multiple %multiple_of3A_32, 128 : i32
    %dma_start3A_34 = arith.constant 0 : i32
    %dma_start3A_35 = tpu.memref_slice %arg7[%multiple_of3A_33, %dma_start3A_34] : memref<384x256xf32, #tpu.memory_space<vmem>> -> memref<128x256xf32, #tpu.memory_space<vmem>>
    %dma_start3A_36 = arith.constant 0 : i32
    %dma_start3A_37 = tpu.memref_slice %arg2[%multiple_of3A_31, %dma_start3A_36] : memref<65536x256xf32, #tpu.memory_space<hbm>> -> memref<128x256xf32, #tpu.memory_space<hbm>>
    %dma_start3A_38 = arith.constant 0 : i32
    %dma_start3A_39 = tpu.memref_slice %arg7[%multiple_of3A_33, %dma_start3A_38] : memref<384x256xf32, #tpu.memory_space<vmem>> -> memref<128x256xf32, #tpu.memory_space<vmem>>
    %dma_start3A_40 = arith.constant 0 : i32
    %dma_start3A_41 = tpu.memref_slice %arg2[%multiple_of3A_31, %dma_start3A_40] : memref<65536x256xf32, #tpu.memory_space<hbm>> -> memref<128x256xf32, #tpu.memory_space<hbm>>
    tpu.enqueue_dma source(%dma_start3A_41 : memref<128x256xf32, #tpu.memory_space<hbm>>) target(%dma_start3A_39 : memref<128x256xf32, #tpu.memory_space<vmem>>) target_semaphore(%arg8 : memref<!tpu.dma_semaphore, #tpu.memory_space<semaphore_mem>>)
    %scan3A_42 = arith.constant 0 : i32
    %scan3A_43 = arith.constant 0 : i32
    %scan3A_44 = arith.constant 16 : i32
    %scan3A_45 = arith.addi %scan3A_43, %scan3A_44 : i32
    %scan3A_46 = arith.constant 1 : i32
    scf.for %scan3A_80 = %scan3A_43 to %scan3A_45 step %scan3A_46  : i32 {
      %jit3A_81 = arith.constant 3 : i32
      %eq3A = arith.constant 0 : i32
      %eq3A_82 = arith.cmpi eq, %jit3A_81, %eq3A : i32
      %jit3A_83 = arith.constant 1 : i32
      %select_n3A = arith.select %eq3A_82, %jit3A_83, %jit3A_81 : i32
      %rem3A = arith.remsi %scan3A_80, %select_n3A : i32
      %ne3A = arith.constant 0 : i32
      %ne3A_84 = arith.cmpi ne, %rem3A, %ne3A : i32
      %lt3A_85 = arith.constant 0 : i32
      %lt3A_86 = arith.cmpi slt, %rem3A, %lt3A_85 : i32
      %lt3A_87 = arith.constant 0 : i32
      %lt3A_88 = arith.cmpi slt, %select_n3A, %lt3A_87 : i32
      %ne3A_89 = arith.xori %lt3A_86, %lt3A_88 : i1
      %and3A = arith.andi %ne3A_89, %ne3A_84 : i1
      %add3A_90 = arith.addi %rem3A, %select_n3A : i32
      %select_n3A_91 = arith.select %and3A, %add3A_90, %rem3A : i32
      %mul3A_92 = arith.constant 128 : i32
      %mul3A_93 = arith.muli %select_n3A_91, %mul3A_92 : i32
      %multiple_of3A_94 = tpu.assume_multiple %mul3A_93, 128 : i32
      %dma_wait3A_95 = arith.constant 0 : i32
      %dma_wait3A_96 = tpu.memref_slice %arg7[%multiple_of3A_94, %dma_wait3A_95] : memref<384x256xf32, #tpu.memory_space<vmem>> -> memref<128x256xf32, #tpu.memory_space<vmem>>
      %dma_wait3A_97 = arith.constant 0 : i32
      %dma_wait3A_98 = tpu.memref_slice %arg2[%mul3A_2, %dma_wait3A_97] : memref<65536x256xf32, #tpu.memory_space<hbm>> -> memref<128x256xf32, #tpu.memory_space<hbm>>
      %dma_wait3A_99 = arith.constant 0 : i32
      %dma_wait3A_100 = tpu.memref_slice %arg7[%multiple_of3A_94, %dma_wait3A_99] : memref<384x256xf32, #tpu.memory_space<vmem>> -> memref<128x256xf32, #tpu.memory_space<vmem>>
      %dma_wait3A_101 = arith.constant 0 : i32
      %dma_wait3A_102 = tpu.memref_slice %arg2[%mul3A_2, %dma_wait3A_101] : memref<65536x256xf32, #tpu.memory_space<hbm>> -> memref<128x256xf32, #tpu.memory_space<hbm>>
      tpu.wait_dma2 semaphore(%arg8 : memref<!tpu.dma_semaphore, #tpu.memory_space<semaphore_mem>>) src(%dma_wait3A_102 : memref<128x256xf32, #tpu.memory_space<hbm>>) dst(%dma_wait3A_100 : memref<128x256xf32, #tpu.memory_space<vmem>>)
      %add3A_103 = arith.constant 2 : i32
      %add3A_104 = arith.addi %scan3A_80, %add3A_103 : i32
      %lt3A_105 = arith.constant 16 : i32
      %lt3A_106 = arith.cmpi slt, %add3A_104, %lt3A_105 : i32
      %convert_element_type3A_107 = arith.extui %lt3A_106 : i1 to i32
      %cond3A_108 = arith.constant 0 : i32
      %cond3A_109 = arith.cmpi ne, %convert_element_type3A_107, %cond3A_108 : i32
      scf.if %cond3A_109 {
        %ge3A = arith.constant 1 : i32
        %ge3A_141 = arith.cmpi sge, %scan3A_80, %ge3A : i32
        %convert_element_type3A_142 = arith.extui %ge3A_141 : i1 to i32
        %cond3A_143 = arith.constant 0 : i32
        %cond3A_144 = arith.cmpi ne, %convert_element_type3A_142, %cond3A_143 : i32
        scf.if %cond3A_144 {
          %sub3A_178 = arith.constant 1 : i32
          %sub3A_179 = arith.subi %scan3A_80, %sub3A_178 : i32
          %jit3A_180 = arith.constant 3 : i32
          %eq3A_181 = arith.constant 0 : i32
          %eq3A_182 = arith.cmpi eq, %jit3A_180, %eq3A_181 : i32
          %jit3A_183 = arith.constant 1 : i32
          %select_n3A_184 = arith.select %eq3A_182, %jit3A_183, %jit3A_180 : i32
          %rem3A_185 = arith.remsi %sub3A_179, %select_n3A_184 : i32
          %ne3A_186 = arith.constant 0 : i32
          %ne3A_187 = arith.cmpi ne, %rem3A_185, %ne3A_186 : i32
          %lt3A_188 = arith.constant 0 : i32
          %lt3A_189 = arith.cmpi slt, %rem3A_185, %lt3A_188 : i32
          %lt3A_190 = arith.constant 0 : i32
          %lt3A_191 = arith.cmpi slt, %select_n3A_184, %lt3A_190 : i32
          %ne3A_192 = arith.xori %lt3A_189, %lt3A_191 : i1
          %and3A_193 = arith.andi %ne3A_192, %ne3A_187 : i1
          %add3A_194 = arith.addi %rem3A_185, %select_n3A_184 : i32
          %select_n3A_195 = arith.select %and3A_193, %add3A_194, %rem3A_185 : i32
          %mul3A_196 = arith.constant 128 : i32
          %mul3A_197 = arith.muli %select_n3A_195, %mul3A_196 : i32
          %multiple_of3A_198 = tpu.assume_multiple %mul3A_197, 128 : i32
          %dma_wait3A_199 = arith.constant 0 : i32
          %dma_wait3A_200 = tpu.memref_slice %arg7[%multiple_of3A_198, %dma_wait3A_199] : memref<384x256xf32, #tpu.memory_space<vmem>> -> memref<128x256xf32, #tpu.memory_space<vmem>>
          %dma_wait3A_201 = arith.constant 0 : i32
          %dma_wait3A_202 = tpu.memref_slice %arg4[%mul3A_2, %dma_wait3A_201] : memref<65536x256xf32, #tpu.memory_space<hbm>> -> memref<128x256xf32, #tpu.memory_space<hbm>>
          %dma_wait3A_203 = arith.constant 0 : i32
          %dma_wait3A_204 = tpu.memref_slice %arg4[%mul3A_2, %dma_wait3A_203] : memref<65536x256xf32, #tpu.memory_space<hbm>> -> memref<128x256xf32, #tpu.memory_space<hbm>>
          %dma_wait3A_205 = arith.constant 0 : i32
          %dma_wait3A_206 = tpu.memref_slice %arg7[%multiple_of3A_198, %dma_wait3A_205] : memref<384x256xf32, #tpu.memory_space<vmem>> -> memref<128x256xf32, #tpu.memory_space<vmem>>
          tpu.wait_dma2 semaphore(%arg9 : memref<!tpu.dma_semaphore, #tpu.memory_space<semaphore_mem>>) src(%dma_wait3A_206 : memref<128x256xf32, #tpu.memory_space<vmem>>) dst(%dma_wait3A_204 : memref<128x256xf32, #tpu.memory_space<hbm>>)
        } else {
        }
        %add3A_145 = arith.constant 2 : i32
        %add3A_146 = arith.addi %scan3A_80, %add3A_145 : i32
        %mul3A_147 = arith.constant 128 : i32
        %mul3A_148 = arith.muli %add3A_146, %mul3A_147 : i32
        %add3A_149 = arith.addi %mul3A_2, %mul3A_148 : i32
        %multiple_of3A_150 = tpu.assume_multiple %add3A_149, 128 : i32
        %jit3A_151 = arith.constant 3 : i32
        %eq3A_152 = arith.constant 0 : i32
        %eq3A_153 = arith.cmpi eq, %jit3A_151, %eq3A_152 : i32
        %jit3A_154 = arith.constant 1 : i32
        %select_n3A_155 = arith.select %eq3A_153, %jit3A_154, %jit3A_151 : i32
        %rem3A_156 = arith.remsi %add3A_146, %select_n3A_155 : i32
        %ne3A_157 = arith.constant 0 : i32
        %ne3A_158 = arith.cmpi ne, %rem3A_156, %ne3A_157 : i32
        %lt3A_159 = arith.constant 0 : i32
        %lt3A_160 = arith.cmpi slt, %rem3A_156, %lt3A_159 : i32
        %lt3A_161 = arith.constant 0 : i32
        %lt3A_162 = arith.cmpi slt, %select_n3A_155, %lt3A_161 : i32
        %ne3A_163 = arith.xori %lt3A_160, %lt3A_162 : i1
        %and3A_164 = arith.andi %ne3A_163, %ne3A_158 : i1
        %add3A_165 = arith.addi %rem3A_156, %select_n3A_155 : i32
        %select_n3A_166 = arith.select %and3A_164, %add3A_165, %rem3A_156 : i32
        %mul3A_167 = arith.constant 128 : i32
        %mul3A_168 = arith.muli %select_n3A_166, %mul3A_167 : i32
        %multiple_of3A_169 = tpu.assume_multiple %mul3A_168, 128 : i32
        %dma_start3A_170 = arith.constant 0 : i32
        %dma_start3A_171 = tpu.memref_slice %arg7[%multiple_of3A_169, %dma_start3A_170] : memref<384x256xf32, #tpu.memory_space<vmem>> -> memref<128x256xf32, #tpu.memory_space<vmem>>
        %dma_start3A_172 = arith.constant 0 : i32
        %dma_start3A_173 = tpu.memref_slice %arg2[%multiple_of3A_150, %dma_start3A_172] : memref<65536x256xf32, #tpu.memory_space<hbm>> -> memref<128x256xf32, #tpu.memory_space<hbm>>
        %dma_start3A_174 = arith.constant 0 : i32
        %dma_start3A_175 = tpu.memref_slice %arg7[%multiple_of3A_169, %dma_start3A_174] : memref<384x256xf32, #tpu.memory_space<vmem>> -> memref<128x256xf32, #tpu.memory_space<vmem>>
        %dma_start3A_176 = arith.constant 0 : i32
        %dma_start3A_177 = tpu.memref_slice %arg2[%multiple_of3A_150, %dma_start3A_176] : memref<65536x256xf32, #tpu.memory_space<hbm>> -> memref<128x256xf32, #tpu.memory_space<hbm>>
        tpu.enqueue_dma source(%dma_start3A_177 : memref<128x256xf32, #tpu.memory_space<hbm>>) target(%dma_start3A_175 : memref<128x256xf32, #tpu.memory_space<vmem>>) target_semaphore(%arg8 : memref<!tpu.dma_semaphore, #tpu.memory_space<semaphore_mem>>)
      } else {
      }
      %mul3A_110 = arith.constant 128 : i32
      %mul3A_111 = arith.muli %scan3A_80, %mul3A_110 : i32
      %add3A_112 = arith.addi %mul3A_2, %mul3A_111 : i32
      %multiple_of3A_113 = tpu.assume_multiple %add3A_112, 128 : i32
      %jit3A_114 = arith.constant 3 : i32
      %eq3A_115 = arith.constant 0 : i32
      %eq3A_116 = arith.cmpi eq, %jit3A_114, %eq3A_115 : i32
      %jit3A_117 = arith.constant 1 : i32
      %select_n3A_118 = arith.select %eq3A_116, %jit3A_117, %jit3A_114 : i32
      %rem3A_119 = arith.remsi %scan3A_80, %select_n3A_118 : i32
      %ne3A_120 = arith.constant 0 : i32
      %ne3A_121 = arith.cmpi ne, %rem3A_119, %ne3A_120 : i32
      %lt3A_122 = arith.constant 0 : i32
      %lt3A_123 = arith.cmpi slt, %rem3A_119, %lt3A_122 : i32
      %lt3A_124 = arith.constant 0 : i32
      %lt3A_125 = arith.cmpi slt, %select_n3A_118, %lt3A_124 : i32
      %ne3A_126 = arith.xori %lt3A_123, %lt3A_125 : i1
      %and3A_127 = arith.andi %ne3A_126, %ne3A_121 : i1
      %add3A_128 = arith.addi %rem3A_119, %select_n3A_118 : i32
      %select_n3A_129 = arith.select %and3A_127, %add3A_128, %rem3A_119 : i32
      %mul3A_130 = arith.constant 128 : i32
      %mul3A_131 = arith.muli %select_n3A_129, %mul3A_130 : i32
      %multiple_of3A_132 = tpu.assume_multiple %mul3A_131, 128 : i32
      %dma_start3A_133 = arith.constant 0 : i32
      %dma_start3A_134 = tpu.memref_slice %arg7[%multiple_of3A_132, %dma_start3A_133] : memref<384x256xf32, #tpu.memory_space<vmem>> -> memref<128x256xf32, #tpu.memory_space<vmem>>
      %dma_start3A_135 = arith.constant 0 : i32
      %dma_start3A_136 = tpu.memref_slice %arg4[%multiple_of3A_113, %dma_start3A_135] : memref<65536x256xf32, #tpu.memory_space<hbm>> -> memref<128x256xf32, #tpu.memory_space<hbm>>
      %dma_start3A_137 = arith.constant 0 : i32
      %dma_start3A_138 = tpu.memref_slice %arg4[%multiple_of3A_113, %dma_start3A_137] : memref<65536x256xf32, #tpu.memory_space<hbm>> -> memref<128x256xf32, #tpu.memory_space<hbm>>
      %dma_start3A_139 = arith.constant 0 : i32
      %dma_start3A_140 = tpu.memref_slice %arg7[%multiple_of3A_132, %dma_start3A_139] : memref<384x256xf32, #tpu.memory_space<vmem>> -> memref<128x256xf32, #tpu.memory_space<vmem>>
      tpu.enqueue_dma source(%dma_start3A_140 : memref<128x256xf32, #tpu.memory_space<vmem>>) target(%dma_start3A_138 : memref<128x256xf32, #tpu.memory_space<hbm>>) target_semaphore(%arg9 : memref<!tpu.dma_semaphore, #tpu.memory_space<semaphore_mem>>)
    }
    %scan3A_47 = arith.constant 16 : i32
    %multiple_of3A_48 = arith.constant 128 : i32
    %multiple_of3A_49 = tpu.assume_multiple %multiple_of3A_48, 128 : i32
    %dma_wait3A = arith.constant 0 : i32
    %dma_wait3A_50 = tpu.memref_slice %arg7[%multiple_of3A_49, %dma_wait3A] : memref<384x256xf32, #tpu.memory_space<vmem>> -> memref<128x256xf32, #tpu.memory_space<vmem>>
    %dma_wait3A_51 = arith.constant 0 : i32
    %dma_wait3A_52 = tpu.memref_slice %arg4[%mul3A_2, %dma_wait3A_51] : memref<65536x256xf32, #tpu.memory_space<hbm>> -> memref<128x256xf32, #tpu.memory_space<hbm>>
    %dma_wait3A_53 = arith.constant 0 : i32
    %dma_wait3A_54 = tpu.memref_slice %arg4[%mul3A_2, %dma_wait3A_53] : memref<65536x256xf32, #tpu.memory_space<hbm>> -> memref<128x256xf32, #tpu.memory_space<hbm>>
    %dma_wait3A_55 = arith.constant 0 : i32
    %dma_wait3A_56 = tpu.memref_slice %arg7[%multiple_of3A_49, %dma_wait3A_55] : memref<384x256xf32, #tpu.memory_space<vmem>> -> memref<128x256xf32, #tpu.memory_space<vmem>>
    tpu.wait_dma2 semaphore(%arg9 : memref<!tpu.dma_semaphore, #tpu.memory_space<semaphore_mem>>) src(%dma_wait3A_56 : memref<128x256xf32, #tpu.memory_space<vmem>>) dst(%dma_wait3A_54 : memref<128x256xf32, #tpu.memory_space<hbm>>)
    %multiple_of3A_57 = arith.constant 256 : i32
    %multiple_of3A_58 = tpu.assume_multiple %multiple_of3A_57, 128 : i32
    %dma_wait3A_59 = arith.constant 0 : i32
    %dma_wait3A_60 = tpu.memref_slice %arg7[%multiple_of3A_58, %dma_wait3A_59] : memref<384x256xf32, #tpu.memory_space<vmem>> -> memref<128x256xf32, #tpu.memory_space<vmem>>
    %dma_wait3A_61 = arith.constant 0 : i32
    %dma_wait3A_62 = tpu.memref_slice %arg4[%mul3A_2, %dma_wait3A_61] : memref<65536x256xf32, #tpu.memory_space<hbm>> -> memref<128x256xf32, #tpu.memory_space<hbm>>
    %dma_wait3A_63 = arith.constant 0 : i32
    %dma_wait3A_64 = tpu.memref_slice %arg4[%mul3A_2, %dma_wait3A_63] : memref<65536x256xf32, #tpu.memory_space<hbm>> -> memref<128x256xf32, #tpu.memory_space<hbm>>
    %dma_wait3A_65 = arith.constant 0 : i32
    %dma_wait3A_66 = tpu.memref_slice %arg7[%multiple_of3A_58, %dma_wait3A_65] : memref<384x256xf32, #tpu.memory_space<vmem>> -> memref<128x256xf32, #tpu.memory_space<vmem>>
    tpu.wait_dma2 semaphore(%arg9 : memref<!tpu.dma_semaphore, #tpu.memory_space<semaphore_mem>>) src(%dma_wait3A_66 : memref<128x256xf32, #tpu.memory_space<vmem>>) dst(%dma_wait3A_64 : memref<128x256xf32, #tpu.memory_space<hbm>>)
    %multiple_of3A_67 = arith.constant 0 : i32
    %multiple_of3A_68 = tpu.assume_multiple %multiple_of3A_67, 128 : i32
    %dma_wait3A_69 = arith.constant 0 : i32
    %dma_wait3A_70 = tpu.memref_slice %arg7[%multiple_of3A_68, %dma_wait3A_69] : memref<384x256xf32, #tpu.memory_space<vmem>> -> memref<128x256xf32, #tpu.memory_space<vmem>>
    %dma_wait3A_71 = arith.constant 0 : i32
    %dma_wait3A_72 = tpu.memref_slice %arg4[%mul3A_2, %dma_wait3A_71] : memref<65536x256xf32, #tpu.memory_space<hbm>> -> memref<128x256xf32, #tpu.memory_space<hbm>>
    %dma_wait3A_73 = arith.constant 0 : i32
    %dma_wait3A_74 = tpu.memref_slice %arg4[%mul3A_2, %dma_wait3A_73] : memref<65536x256xf32, #tpu.memory_space<hbm>> -> memref<128x256xf32, #tpu.memory_space<hbm>>
    %dma_wait3A_75 = arith.constant 0 : i32
    %dma_wait3A_76 = tpu.memref_slice %arg7[%multiple_of3A_68, %dma_wait3A_75] : memref<384x256xf32, #tpu.memory_space<vmem>> -> memref<128x256xf32, #tpu.memory_space<vmem>>
    tpu.wait_dma2 semaphore(%arg9 : memref<!tpu.dma_semaphore, #tpu.memory_space<semaphore_mem>>) src(%dma_wait3A_76 : memref<128x256xf32, #tpu.memory_space<vmem>>) dst(%dma_wait3A_74 : memref<128x256xf32, #tpu.memory_space<hbm>>)
    %sub3A = arith.subi %scan3A_14, %mul3A_2 : i32
    %jit3A = arith.constant 0 : i32
    %jit3A_77 = arith.constant 2048 : i32
    %max3A = arith.maxsi %jit3A, %sub3A : i32
    %min3A = arith.minsi %jit3A_77, %max3A : i32
    %lt3A = arith.constant 65536 : i32
    %lt3A_78 = arith.cmpi slt, %scan3A_14, %lt3A : i32
    %convert_element_type3A = arith.extui %lt3A_78 : i1 to i32
    %cond3A = arith.constant 0 : i32
    %cond3A_79 = arith.cmpi ne, %convert_element_type3A, %cond3A : i32
    scf.if %cond3A_79 {
      %scan3A_80 = arith.constant 0 : i32
      %scan3A_81 = arith.constant 0 : i32
      %scan3A_82 = arith.constant 128 : i32
      %scan3A_83 = arith.addi %scan3A_81, %scan3A_82 : i32
      %scan3A_84 = arith.constant 1 : i32
      scf.for %scan3A_138 = %scan3A_81 to %scan3A_83 step %scan3A_84  : i32 {
        %broadcast_in_dim3A_139 = arith.constant 0 : i32
        %broadcast_in_dim3A_140 = vector.broadcast %broadcast_in_dim3A_139 : i32 to vector<16xi32>
        %mul3A_141 = arith.constant 16 : i32
        %mul3A_142 = arith.muli %scan3A_138, %mul3A_141 : i32
        %swap3A = arith.index_cast %mul3A_142 : i32 to index
        %swap3A_143 = tpu.vector_load %arg6[%swap3A] {strides = array<i32>} : memref<2048xi32, #tpu.memory_space<vmem>>, vector<16xi32>,
        tpu.vector_store %arg6[%swap3A], %broadcast_in_dim3A_140 {strides = array<i32>} : memref<2048xi32, #tpu.memory_space<vmem>>, vector<16xi32>,
      }
      %scan3A_85 = arith.constant 128 : i32
      %scan3A_86 = arith.constant 0 : i32
      %scan3A_87 = arith.constant 0 : i32
      %scan3A_88 = arith.constant 32 : i32
      %scan3A_89 = arith.addi %scan3A_87, %scan3A_88 : i32
      %scan3A_90 = arith.constant 1 : i32
      %scan3A_91 = scf.for %scan3A_138 = %scan3A_87 to %scan3A_89 step %scan3A_90 iter_args(%scan3A_139 = %scan3A_86) -> (i32)  : i32 {
        %mul3A_140 = arith.constant 2048 : i32
        %mul3A_141 = arith.muli %scan3A_138, %mul3A_140 : i32
        "tpu.region"() ({
          %run_scoped3A = tpu.sem_alloc : memref<!tpu.dma_semaphore, #tpu.memory_space<semaphore_mem>>
          %dma_start3A_170 = arith.constant 0 : i32
          %dma_start3A_171 = tpu.memref_slice %arg5[%dma_start3A_170] : memref<16384xi32, #tpu.memory_space<vmem>> -> memref<2048xi32, #tpu.memory_space<vmem>>
          %dma_start3A_172 = tpu.memref_slice %arg3[%mul3A_141] : memref<65536xi32, #tpu.memory_space<hbm>> -> memref<2048xi32, #tpu.memory_space<hbm>>
          %dma_start3A_173 = arith.constant 0 : i32
          %dma_start3A_174 = tpu.memref_slice %arg5[%dma_start3A_173] : memref<16384xi32, #tpu.memory_space<vmem>> -> memref<2048xi32, #tpu.memory_space<vmem>>
          %dma_start3A_175 = tpu.memref_slice %arg3[%mul3A_141] : memref<65536xi32, #tpu.memory_space<hbm>> -> memref<2048xi32, #tpu.memory_space<hbm>>
          tpu.enqueue_dma source(%dma_start3A_175 : memref<2048xi32, #tpu.memory_space<hbm>>) target(%dma_start3A_174 : memref<2048xi32, #tpu.memory_space<vmem>>) target_semaphore(%run_scoped3A : memref<!tpu.dma_semaphore, #tpu.memory_space<semaphore_mem>>)
          %dma_wait3A_176 = arith.constant 0 : i32
          %dma_wait3A_177 = tpu.memref_slice %arg5[%dma_wait3A_176] : memref<16384xi32, #tpu.memory_space<vmem>> -> memref<2048xi32, #tpu.memory_space<vmem>>
          %dma_wait3A_178 = tpu.memref_slice %arg3[%mul3A_141] : memref<65536xi32, #tpu.memory_space<hbm>> -> memref<2048xi32, #tpu.memory_space<hbm>>
          %dma_wait3A_179 = arith.constant 0 : i32
          %dma_wait3A_180 = tpu.memref_slice %arg5[%dma_wait3A_179] : memref<16384xi32, #tpu.memory_space<vmem>> -> memref<2048xi32, #tpu.memory_space<vmem>>
          %dma_wait3A_181 = tpu.memref_slice %arg3[%mul3A_141] : memref<65536xi32, #tpu.memory_space<hbm>> -> memref<2048xi32, #tpu.memory_space<hbm>>
          tpu.wait_dma2 semaphore(%run_scoped3A : memref<!tpu.dma_semaphore, #tpu.memory_space<semaphore_mem>>) src(%dma_wait3A_181 : memref<2048xi32, #tpu.memory_space<hbm>>) dst(%dma_wait3A_180 : memref<2048xi32, #tpu.memory_space<vmem>>)
          tpu.yield
        }) : () -> ()
        %broadcast_in_dim3A_142 = arith.constant 0 : i32
        %broadcast_in_dim3A_143 = vector.broadcast %broadcast_in_dim3A_142 : i32 to vector<16xi32>
        %scan3A_144 = arith.constant 0 : i32
        %scan3A_145 = arith.constant 16 : i32
        %scan3A_146 = arith.addi %scan3A_144, %scan3A_145 : i32
        %scan3A_147 = arith.constant 1 : i32
        %scan3A_148:8 = scf.for %scan3A_170 = %scan3A_144 to %scan3A_146 step %scan3A_147 iter_args(%scan3A_171 = %broadcast_in_dim3A_143, %scan3A_172 = %broadcast_in_dim3A_143, %scan3A_173 = %broadcast_in_dim3A_143, %scan3A_174 = %broadcast_in_dim3A_143, %scan3A_175 = %broadcast_in_dim3A_143, %scan3A_176 = %broadcast_in_dim3A_143, %scan3A_177 = %broadcast_in_dim3A_143, %scan3A_178 = %broadcast_in_dim3A_143) -> (vector<16xi32>, vector<16xi32>, vector<16xi32>, vector<16xi32>, vector<16xi32>, vector<16xi32>, vector<16xi32>, vector<16xi32>)  : i32 {
          %mul3A_179 = arith.constant 8 : i32
          %mul3A_180 = arith.muli %scan3A_170, %mul3A_179 : i32
          %mul3A_181 = arith.constant 16 : i32
          %mul3A_182 = arith.muli %mul3A_180, %mul3A_181 : i32
          %add3A_183 = arith.constant 0 : i32
          %add3A_184 = arith.addi %mul3A_182, %add3A_183 : i32
          %get3A = arith.constant 0 : i32
          %get3A_185 = tpu.memref_slice %arg5[%get3A] : memref<16384xi32, #tpu.memory_space<vmem>> -> memref<2048xi32, #tpu.memory_space<vmem>>
          %get3A_186 = arith.index_cast %add3A_184 : i32 to index
          %get3A_187 = tpu.vector_load %get3A_185[%get3A_186] {strides = array<i32>} : memref<2048xi32, #tpu.memory_space<vmem>>, vector<16xi32>,
          %add3A_188 = arith.addi %scan3A_171, %get3A_187 : vector<16xi32>
          %add3A_189 = arith.constant 16 : i32
          %add3A_190 = arith.addi %mul3A_182, %add3A_189 : i32
          %get3A_191 = arith.constant 0 : i32
          %get3A_192 = tpu.memref_slice %arg5[%get3A_191] : memref<16384xi32, #tpu.memory_space<vmem>> -> memref<2048xi32, #tpu.memory_space<vmem>>
          %get3A_193 = arith.index_cast %add3A_190 : i32 to index
          %get3A_194 = tpu.vector_load %get3A_192[%get3A_193] {strides = array<i32>} : memref<2048xi32, #tpu.memory_space<vmem>>, vector<16xi32>,
          %add3A_195 = arith.addi %scan3A_172, %get3A_194 : vector<16xi32>
          %add3A_196 = arith.constant 32 : i32
          %add3A_197 = arith.addi %mul3A_182, %add3A_196 : i32
          %get3A_198 = arith.constant 0 : i32
          %get3A_199 = tpu.memref_slice %arg5[%get3A_198] : memref<16384xi32, #tpu.memory_space<vmem>> -> memref<2048xi32, #tpu.memory_space<vmem>>
          %get3A_200 = arith.index_cast %add3A_197 : i32 to index
          %get3A_201 = tpu.vector_load %get3A_199[%get3A_200] {strides = array<i32>} : memref<2048xi32, #tpu.memory_space<vmem>>, vector<16xi32>,
          %add3A_202 = arith.addi %scan3A_173, %get3A_201 : vector<16xi32>
          %add3A_203 = arith.constant 48 : i32
          %add3A_204 = arith.addi %mul3A_182, %add3A_203 : i32
          %get3A_205 = arith.constant 0 : i32
          %get3A_206 = tpu.memref_slice %arg5[%get3A_205] : memref<16384xi32, #tpu.memory_space<vmem>> -> memref<2048xi32, #tpu.memory_space<vmem>>
          %get3A_207 = arith.index_cast %add3A_204 : i32 to index
          %get3A_208 = tpu.vector_load %get3A_206[%get3A_207] {strides = array<i32>} : memref<2048xi32, #tpu.memory_space<vmem>>, vector<16xi32>,
          %add3A_209 = arith.addi %scan3A_174, %get3A_208 : vector<16xi32>
          %add3A_210 = arith.constant 64 : i32
          %add3A_211 = arith.addi %mul3A_182, %add3A_210 : i32
          %get3A_212 = arith.constant 0 : i32
          %get3A_213 = tpu.memref_slice %arg5[%get3A_212] : memref<16384xi32, #tpu.memory_space<vmem>> -> memref<2048xi32, #tpu.memory_space<vmem>>
          %get3A_214 = arith.index_cast %add3A_211 : i32 to index
          %get3A_215 = tpu.vector_load %get3A_213[%get3A_214] {strides = array<i32>} : memref<2048xi32, #tpu.memory_space<vmem>>, vector<16xi32>,
          %add3A_216 = arith.addi %scan3A_175, %get3A_215 : vector<16xi32>
          %add3A_217 = arith.constant 80 : i32
          %add3A_218 = arith.addi %mul3A_182, %add3A_217 : i32
          %get3A_219 = arith.constant 0 : i32
          %get3A_220 = tpu.memref_slice %arg5[%get3A_219] : memref<16384xi32, #tpu.memory_space<vmem>> -> memref<2048xi32, #tpu.memory_space<vmem>>
          %get3A_221 = arith.index_cast %add3A_218 : i32 to index
          %get3A_222 = tpu.vector_load %get3A_220[%get3A_221] {strides = array<i32>} : memref<2048xi32, #tpu.memory_space<vmem>>, vector<16xi32>,
          %add3A_223 = arith.addi %scan3A_176, %get3A_222 : vector<16xi32>
          %add3A_224 = arith.constant 96 : i32
          %add3A_225 = arith.addi %mul3A_182, %add3A_224 : i32
          %get3A_226 = arith.constant 0 : i32
          %get3A_227 = tpu.memref_slice %arg5[%get3A_226] : memref<16384xi32, #tpu.memory_space<vmem>> -> memref<2048xi32, #tpu.memory_space<vmem>>
          %get3A_228 = arith.index_cast %add3A_225 : i32 to index
          %get3A_229 = tpu.vector_load %get3A_227[%get3A_228] {strides = array<i32>} : memref<2048xi32, #tpu.memory_space<vmem>>, vector<16xi32>,
          %add3A_230 = arith.addi %scan3A_177, %get3A_229 : vector<16xi32>
          %add3A_231 = arith.constant 112 : i32
          %add3A_232 = arith.addi %mul3A_182, %add3A_231 : i32
          %get3A_233 = arith.constant 0 : i32
          %get3A_234 = tpu.memref_slice %arg5[%get3A_233] : memref<16384xi32, #tpu.memory_space<vmem>> -> memref<2048xi32, #tpu.memory_space<vmem>>
          %get3A_235 = arith.index_cast %add3A_232 : i32 to index
          %get3A_236 = tpu.vector_load %get3A_234[%get3A_235] {strides = array<i32>} : memref<2048xi32, #tpu.memory_space<vmem>>, vector<16xi32>,
          %add3A_237 = arith.addi %scan3A_178, %get3A_236 : vector<16xi32>
          scf.yield %add3A_188, %add3A_195, %add3A_202, %add3A_209, %add3A_216, %add3A_223, %add3A_230, %add3A_237 : vector<16xi32>, vector<16xi32>, vector<16xi32>, vector<16xi32>, vector<16xi32>, vector<16xi32>, vector<16xi32>, vector<16xi32>
        }
        %scan3A_149 = arith.constant 16 : i32
        %add3A_150 = arith.addi %scan3A_148#0, %scan3A_148#1 : vector<16xi32>
        %add3A_151 = arith.addi %add3A_150, %scan3A_148#2 : vector<16xi32>
        %add3A_152 = arith.addi %add3A_151, %scan3A_148#3 : vector<16xi32>
        %add3A_153 = arith.addi %add3A_152, %scan3A_148#4 : vector<16xi32>
        %add3A_154 = arith.addi %add3A_153, %scan3A_148#5 : vector<16xi32>
        %add3A_155 = arith.addi %add3A_154, %scan3A_148#6 : vector<16xi32>
        %add3A_156 = arith.addi %add3A_155, %scan3A_148#7 : vector<16xi32>
        %reduce_sum3A = arith.constant true
        %reduce_sum3A_157 = vector.broadcast %reduce_sum3A : i1 to vector<16xi1>
        %reduce_sum3A_158 = tpu.scan <sum>, %add3A_156 masked %reduce_sum3A_157 : vector<16xi32>, vector<16xi1> -> vector<16xi32>
        %reduce_sum3A_159 = vector.extract %reduce_sum3A_158[15] : i32 from vector<16xi32>
        %add3A_160 = arith.constant 2048 : i32
        %add3A_161 = arith.addi %mul3A_2, %add3A_160 : i32
        %lt3A_162 = arith.cmpi slt, %scan3A_139, %add3A_161 : i32
        %add3A_163 = arith.addi %scan3A_139, %reduce_sum3A_159 : i32
        %gt3A_164 = arith.cmpi sgt, %add3A_163, %mul3A_2 : i32
        %and3A_165 = arith.andi %lt3A_162, %gt3A_164 : i1
        %convert_element_type3A_166 = arith.extui %and3A_165 : i1 to i32
        %cond3A_167 = arith.constant 0 : i32
        %cond3A_168 = arith.cmpi ne, %convert_element_type3A_166, %cond3A_167 : i32
        scf.if %cond3A_168 {
          %scan3A_170 = arith.constant 0 : i32
          %scan3A_171 = arith.constant 0 : i32
          %scan3A_172 = arith.constant 128 : i32
          %scan3A_173 = arith.addi %scan3A_171, %scan3A_172 : i32
          %scan3A_174 = arith.constant 1 : i32
          %scan3A_175 = scf.for %scan3A_177 = %scan3A_171 to %scan3A_173 step %scan3A_174 iter_args(%scan3A_178 = %scan3A_170) -> (i32)  : i32 {
            %mul3A_179 = arith.constant 16 : i32
            %mul3A_180 = arith.muli %scan3A_177, %mul3A_179 : i32
            %get3A = arith.constant 0 : i32
            %get3A_181 = tpu.memref_slice %arg5[%get3A] : memref<16384xi32, #tpu.memory_space<vmem>> -> memref<2048xi32, #tpu.memory_space<vmem>>
            %get3A_182 = arith.index_cast %mul3A_180 : i32 to index
            %get3A_183 = tpu.vector_load %get3A_181[%get3A_182] {strides = array<i32>} : memref<2048xi32, #tpu.memory_space<vmem>>, vector<16xi32>,
            %ne3A_184 = arith.constant 0 : i32
            %ne3A_185 = vector.broadcast %ne3A_184 : i32 to vector<16xi32>
            %ne3A_186 = arith.cmpi ne, %get3A_183, %ne3A_185 : vector<16xi32>
            %broadcast_in_dim3A_187 = arith.constant true
            %broadcast_in_dim3A_188 = vector.broadcast %broadcast_in_dim3A_187 : i1 to vector<16xi1>
            %masked_cumsum3A = tpu.scan <sum>, %get3A_183 masked %broadcast_in_dim3A_188 : vector<16xi32>, vector<16xi1> -> vector<16xi32>
            %add3A_189 = arith.addi %scan3A_139, %scan3A_178 : i32
            %add3A_190 = vector.broadcast %add3A_189 : i32 to vector<16xi32>
            %add3A_191 = arith.addi %add3A_190, %masked_cumsum3A : vector<16xi32>
            %sub3A_192 = arith.subi %add3A_191, %get3A_183 : vector<16xi32>
            %sub3A_193 = vector.broadcast %mul3A_2 : i32 to vector<16xi32>
            %sub3A_194 = arith.subi %sub3A_192, %sub3A_193 : vector<16xi32>
            %mul3A_195 = arith.constant 16 : i32
            %mul3A_196 = arith.muli %scan3A_177, %mul3A_195 : i32
            %add3A_197 = arith.addi %mul3A_141, %mul3A_196 : i32
            %add3A_198 = vector.broadcast %add3A_197 : i32 to vector<16xi32>
            %add3A_199 = arith.addi %add3A_198, %iota3A : vector<16xi32>
            %ge3A = arith.constant 0 : i32
            %ge3A_200 = vector.broadcast %ge3A : i32 to vector<16xi32>
            %ge3A_201 = arith.cmpi sge, %sub3A_194, %ge3A_200 : vector<16xi32>
            %and3A_202 = arith.andi %ne3A_186, %ge3A_201 : vector<16xi1>
            %lt3A_203 = arith.constant 2048 : i32
            %lt3A_204 = vector.broadcast %lt3A_203 : i32 to vector<16xi32>
            %lt3A_205 = arith.cmpi slt, %sub3A_194, %lt3A_204 : vector<16xi32>
            %and3A_206 = arith.andi %and3A_202, %lt3A_205 : vector<16xi1>
            tpu.vector_store_idx %arg6[%sub3A_194], %add3A_199 masked %and3A_206 : memref<2048xi32, #tpu.memory_space<vmem>>[vector<16xi32>], vector<16xi32>, vector<16xi1>
            %reduce_max3A = arith.constant true
            %reduce_max3A_207 = vector.broadcast %reduce_max3A : i1 to vector<16xi1>
            %reduce_max3A_208 = arith.constant -2147483648 : i32
            %reduce_max3A_209 = vector.broadcast %reduce_max3A_208 : i32 to vector<16xi32>
            %reduce_max3A_210 = arith.xori %masked_cumsum3A, %reduce_max3A_209 : vector<16xi32>
            %reduce_max3A_211 = tpu.scan <max>, %reduce_max3A_210 masked %reduce_max3A_207 : vector<16xi32>, vector<16xi1> -> vector<16xi32>
            %reduce_max3A_212 = arith.xori %reduce_max3A_211, %reduce_max3A_209 : vector<16xi32>
            %reduce_max3A_213 = vector.extract %reduce_max3A_212[15] : i32 from vector<16xi32>
            %add3A_214 = arith.addi %scan3A_178, %reduce_max3A_213 : i32
            scf.yield %add3A_214 : i32
          }
          %scan3A_176 = arith.constant 128 : i32
        } else {
        }
        %add3A_169 = arith.addi %scan3A_139, %reduce_sum3A_159 : i32
        scf.yield %add3A_169 : i32
      }
      %scan3A_92 = arith.constant 32 : i32
      %jit3A_93 = arith.constant 128 : i32
      %div3A = arith.divsi %min3A, %jit3A_93 : i32
      %sign3A = arith.constant 0 : i32
      %sign3A_94 = arith.cmpi sgt, %min3A, %sign3A : i32
      %sign3A_95 = arith.extui %sign3A_94 : i1 to i32
      %sign3A_96 = arith.constant 0 : i32
      %sign3A_97 = arith.cmpi slt, %min3A, %sign3A_96 : i32
      %sign3A_98 = arith.extui %sign3A_97 : i1 to i32
      %sign3A_99 = arith.subi %sign3A_95, %sign3A_98 : i32
      %sign3A_100 = arith.constant 0 : i32
      %sign3A_101 = arith.cmpi sgt, %jit3A_93, %sign3A_100 : i32
      %sign3A_102 = arith.extui %sign3A_101 : i1 to i32
      %sign3A_103 = arith.constant 0 : i32
      %sign3A_104 = arith.cmpi slt, %jit3A_93, %sign3A_103 : i32
      %sign3A_105 = arith.extui %sign3A_104 : i1 to i32
      %sign3A_106 = arith.subi %sign3A_102, %sign3A_105 : i32
      %ne3A = arith.cmpi ne, %sign3A_99, %sign3A_106 : i32
      %rem3A = arith.remsi %min3A, %jit3A_93 : i32
      %ne3A_107 = arith.constant 0 : i32
      %ne3A_108 = arith.cmpi ne, %rem3A, %ne3A_107 : i32
      %and3A = arith.andi %ne3A, %ne3A_108 : i1
      %sub3A_109 = arith.constant 1 : i32
      %sub3A_110 = arith.subi %div3A, %sub3A_109 : i32
      %select_n3A = arith.select %and3A, %sub3A_110, %div3A : i32
      %while3A = arith.constant 0 : i32
      %while3A_111 = arith.constant 0 : i32
      %while3A_112 = arith.subi %select_n3A, %while3A_111 : i32
      %while3A_113 = arith.addi %while3A_111, %while3A_112 : i32
      %while3A_114 = arith.constant 1 : i32
      %while3A_115 = arith.divsi %while3A_112, %while3A_114 : i32
      %while3A_116 = arith.muli %while3A_115, %while3A_114 : i32
      %while3A_117 = arith.addi %while3A_111, %while3A_116 : i32
      %while3A_118 = arith.constant 1 : i32
      scf.for %while3A_138 = %while3A_111 to %while3A_117 step %while3A_118  : i32 {
        %mul3A_139 = arith.constant 128 : i32
        %mul3A_140 = arith.muli %while3A_138, %mul3A_139 : i32
        %dma_start3A_141 = arith.constant 0 : i32
        %dma_start3A_142 = arith.constant 0 : i32
        %dma_start3A_143 = tpu.memref_slice %arg7[%dma_start3A_141, %dma_start3A_142] : memref<384x256xf32, #tpu.memory_space<vmem>> -> memref<128x256xf32, #tpu.memory_space<vmem>>
        %dma_start3A_144 = tpu.memref_slice %arg6[%mul3A_140] : memref<2048xi32, #tpu.memory_space<vmem>> -> memref<128xi32, #tpu.memory_space<vmem>>
        %dma_start3A_145 = arith.constant 0 : i32
        %dma_start3A_146 = arith.constant 0 : i32
        %dma_start3A_147 = tpu.memref_slice %arg2[%dma_start3A_145, %dma_start3A_146] : memref<65536x256xf32, #tpu.memory_space<hbm>> -> memref<65536x256xf32, #tpu.memory_space<hbm>>
        tpu.enqueue_indirect_dma source(%dma_start3A_147 : memref<65536x256xf32, #tpu.memory_space<hbm>>) target(%dma_start3A_143 : memref<128x256xf32, #tpu.memory_space<vmem>>) offsets(%dma_start3A_144 : memref<128xi32, #tpu.memory_space<vmem>>) semaphore(%arg8 : memref<!tpu.dma_semaphore, #tpu.memory_space<semaphore_mem>>)
        %dma_wait3A_148 = arith.constant 0 : i32
        %dma_wait3A_149 = arith.constant 0 : i32
        %dma_wait3A_150 = tpu.memref_slice %arg7[%dma_wait3A_148, %dma_wait3A_149] : memref<384x256xf32, #tpu.memory_space<vmem>> -> memref<128x256xf32, #tpu.memory_space<vmem>>
        %dma_wait3A_151 = tpu.memref_slice %arg6[%mul3A_140] : memref<2048xi32, #tpu.memory_space<vmem>> -> memref<128xi32, #tpu.memory_space<vmem>>
        %dma_wait3A_152 = arith.constant 0 : i32
        %dma_wait3A_153 = arith.constant 0 : i32
        %dma_wait3A_154 = tpu.memref_slice %arg2[%dma_wait3A_152, %dma_wait3A_153] : memref<65536x256xf32, #tpu.memory_space<hbm>> -> memref<65536x256xf32, #tpu.memory_space<hbm>>
        tpu.wait_indirect_dma semaphore(%arg8 : memref<!tpu.dma_semaphore, #tpu.memory_space<semaphore_mem>>) src(%dma_wait3A_154 : memref<65536x256xf32, #tpu.memory_space<hbm>>) dst(%dma_wait3A_150 : memref<128x256xf32, #tpu.memory_space<vmem>>)
        %mul3A_155 = arith.constant 128 : i32
        %mul3A_156 = arith.muli %while3A_138, %mul3A_155 : i32
        %add3A_157 = arith.addi %mul3A_2, %mul3A_156 : i32
        %multiple_of3A_158 = tpu.assume_multiple %add3A_157, 128 : i32
        %dma_start3A_159 = arith.constant 0 : i32
        %dma_start3A_160 = arith.constant 0 : i32
        %dma_start3A_161 = tpu.memref_slice %arg7[%dma_start3A_159, %dma_start3A_160] : memref<384x256xf32, #tpu.memory_space<vmem>> -> memref<128x256xf32, #tpu.memory_space<vmem>>
        %dma_start3A_162 = arith.constant 0 : i32
        %dma_start3A_163 = tpu.memref_slice %arg4[%multiple_of3A_158, %dma_start3A_162] : memref<65536x256xf32, #tpu.memory_space<hbm>> -> memref<128x256xf32, #tpu.memory_space<hbm>>
        %dma_start3A_164 = arith.constant 0 : i32
        %dma_start3A_165 = tpu.memref_slice %arg4[%multiple_of3A_158, %dma_start3A_164] : memref<65536x256xf32, #tpu.memory_space<hbm>> -> memref<128x256xf32, #tpu.memory_space<hbm>>
        %dma_start3A_166 = arith.constant 0 : i32
        %dma_start3A_167 = arith.constant 0 : i32
        %dma_start3A_168 = tpu.memref_slice %arg7[%dma_start3A_166, %dma_start3A_167] : memref<384x256xf32, #tpu.memory_space<vmem>> -> memref<128x256xf32, #tpu.memory_space<vmem>>
        tpu.enqueue_dma source(%dma_start3A_168 : memref<128x256xf32, #tpu.memory_space<vmem>>) target(%dma_start3A_165 : memref<128x256xf32, #tpu.memory_space<hbm>>) target_semaphore(%arg9 : memref<!tpu.dma_semaphore, #tpu.memory_space<semaphore_mem>>)
        %dma_wait3A_169 = arith.constant 0 : i32
        %dma_wait3A_170 = arith.constant 0 : i32
        %dma_wait3A_171 = tpu.memref_slice %arg7[%dma_wait3A_169, %dma_wait3A_170] : memref<384x256xf32, #tpu.memory_space<vmem>> -> memref<128x256xf32, #tpu.memory_space<vmem>>
        %dma_wait3A_172 = arith.constant 0 : i32
        %dma_wait3A_173 = tpu.memref_slice %arg4[%multiple_of3A_158, %dma_wait3A_172] : memref<65536x256xf32, #tpu.memory_space<hbm>> -> memref<128x256xf32, #tpu.memory_space<hbm>>
        %dma_wait3A_174 = arith.constant 0 : i32
        %dma_wait3A_175 = tpu.memref_slice %arg4[%multiple_of3A_158, %dma_wait3A_174] : memref<65536x256xf32, #tpu.memory_space<hbm>> -> memref<128x256xf32, #tpu.memory_space<hbm>>
        %dma_wait3A_176 = arith.constant 0 : i32
        %dma_wait3A_177 = arith.constant 0 : i32
        %dma_wait3A_178 = tpu.memref_slice %arg7[%dma_wait3A_176, %dma_wait3A_177] : memref<384x256xf32, #tpu.memory_space<vmem>> -> memref<128x256xf32, #tpu.memory_space<vmem>>
        tpu.wait_dma2 semaphore(%arg9 : memref<!tpu.dma_semaphore, #tpu.memory_space<semaphore_mem>>) src(%dma_wait3A_178 : memref<128x256xf32, #tpu.memory_space<vmem>>) dst(%dma_wait3A_175 : memref<128x256xf32, #tpu.memory_space<hbm>>)
      }
      %while3A_119 = arith.constant 1 : i32
      scf.for %while3A_138 = %while3A_117 to %while3A_113 step %while3A_119  : i32 {
        %mul3A_139 = arith.constant 128 : i32
        %mul3A_140 = arith.muli %while3A_138, %mul3A_139 : i32
        %dma_start3A_141 = arith.constant 0 : i32
        %dma_start3A_142 = arith.constant 0 : i32
        %dma_start3A_143 = tpu.memref_slice %arg7[%dma_start3A_141, %dma_start3A_142] : memref<384x256xf32, #tpu.memory_space<vmem>> -> memref<128x256xf32, #tpu.memory_space<vmem>>
        %dma_start3A_144 = tpu.memref_slice %arg6[%mul3A_140] : memref<2048xi32, #tpu.memory_space<vmem>> -> memref<128xi32, #tpu.memory_space<vmem>>
        %dma_start3A_145 = arith.constant 0 : i32
        %dma_start3A_146 = arith.constant 0 : i32
        %dma_start3A_147 = tpu.memref_slice %arg2[%dma_start3A_145, %dma_start3A_146] : memref<65536x256xf32, #tpu.memory_space<hbm>> -> memref<65536x256xf32, #tpu.memory_space<hbm>>
        tpu.enqueue_indirect_dma source(%dma_start3A_147 : memref<65536x256xf32, #tpu.memory_space<hbm>>) target(%dma_start3A_143 : memref<128x256xf32, #tpu.memory_space<vmem>>) offsets(%dma_start3A_144 : memref<128xi32, #tpu.memory_space<vmem>>) semaphore(%arg8 : memref<!tpu.dma_semaphore, #tpu.memory_space<semaphore_mem>>)
        %dma_wait3A_148 = arith.constant 0 : i32
        %dma_wait3A_149 = arith.constant 0 : i32
        %dma_wait3A_150 = tpu.memref_slice %arg7[%dma_wait3A_148, %dma_wait3A_149] : memref<384x256xf32, #tpu.memory_space<vmem>> -> memref<128x256xf32, #tpu.memory_space<vmem>>
        %dma_wait3A_151 = tpu.memref_slice %arg6[%mul3A_140] : memref<2048xi32, #tpu.memory_space<vmem>> -> memref<128xi32, #tpu.memory_space<vmem>>
        %dma_wait3A_152 = arith.constant 0 : i32
        %dma_wait3A_153 = arith.constant 0 : i32
        %dma_wait3A_154 = tpu.memref_slice %arg2[%dma_wait3A_152, %dma_wait3A_153] : memref<65536x256xf32, #tpu.memory_space<hbm>> -> memref<65536x256xf32, #tpu.memory_space<hbm>>
        tpu.wait_indirect_dma semaphore(%arg8 : memref<!tpu.dma_semaphore, #tpu.memory_space<semaphore_mem>>) src(%dma_wait3A_154 : memref<65536x256xf32, #tpu.memory_space<hbm>>) dst(%dma_wait3A_150 : memref<128x256xf32, #tpu.memory_space<vmem>>)
        %mul3A_155 = arith.constant 128 : i32
        %mul3A_156 = arith.muli %while3A_138, %mul3A_155 : i32
        %add3A_157 = arith.addi %mul3A_2, %mul3A_156 : i32
        %multiple_of3A_158 = tpu.assume_multiple %add3A_157, 128 : i32
        %dma_start3A_159 = arith.constant 0 : i32
        %dma_start3A_160 = arith.constant 0 : i32
        %dma_start3A_161 = tpu.memref_slice %arg7[%dma_start3A_159, %dma_start3A_160] : memref<384x256xf32, #tpu.memory_space<vmem>> -> memref<128x256xf32, #tpu.memory_space<vmem>>
        %dma_start3A_162 = arith.constant 0 : i32
        %dma_start3A_163 = tpu.memref_slice %arg4[%multiple_of3A_158, %dma_start3A_162] : memref<65536x256xf32, #tpu.memory_space<hbm>> -> memref<128x256xf32, #tpu.memory_space<hbm>>
        %dma_start3A_164 = arith.constant 0 : i32
        %dma_start3A_165 = tpu.memref_slice %arg4[%multiple_of3A_158, %dma_start3A_164] : memref<65536x256xf32, #tpu.memory_space<hbm>> -> memref<128x256xf32, #tpu.memory_space<hbm>>
        %dma_start3A_166 = arith.constant 0 : i32
        %dma_start3A_167 = arith.constant 0 : i32
        %dma_start3A_168 = tpu.memref_slice %arg7[%dma_start3A_166, %dma_start3A_167] : memref<384x256xf32, #tpu.memory_space<vmem>> -> memref<128x256xf32, #tpu.memory_space<vmem>>
        tpu.enqueue_dma source(%dma_start3A_168 : memref<128x256xf32, #tpu.memory_space<vmem>>) target(%dma_start3A_165 : memref<128x256xf32, #tpu.memory_space<hbm>>) target_semaphore(%arg9 : memref<!tpu.dma_semaphore, #tpu.memory_space<semaphore_mem>>)
        %dma_wait3A_169 = arith.constant 0 : i32
        %dma_wait3A_170 = arith.constant 0 : i32
        %dma_wait3A_171 = tpu.memref_slice %arg7[%dma_wait3A_169, %dma_wait3A_170] : memref<384x256xf32, #tpu.memory_space<vmem>> -> memref<128x256xf32, #tpu.memory_space<vmem>>
        %dma_wait3A_172 = arith.constant 0 : i32
        %dma_wait3A_173 = tpu.memref_slice %arg4[%multiple_of3A_158, %dma_wait3A_172] : memref<65536x256xf32, #tpu.memory_space<hbm>> -> memref<128x256xf32, #tpu.memory_space<hbm>>
        %dma_wait3A_174 = arith.constant 0 : i32
        %dma_wait3A_175 = tpu.memref_slice %arg4[%multiple_of3A_158, %dma_wait3A_174] : memref<65536x256xf32, #tpu.memory_space<hbm>> -> memref<128x256xf32, #tpu.memory_space<hbm>>
        %dma_wait3A_176 = arith.constant 0 : i32
        %dma_wait3A_177 = arith.constant 0 : i32
        %dma_wait3A_178 = tpu.memref_slice %arg7[%dma_wait3A_176, %dma_wait3A_177] : memref<384x256xf32, #tpu.memory_space<vmem>> -> memref<128x256xf32, #tpu.memory_space<vmem>>
        tpu.wait_dma2 semaphore(%arg9 : memref<!tpu.dma_semaphore, #tpu.memory_space<semaphore_mem>>) src(%dma_wait3A_178 : memref<128x256xf32, #tpu.memory_space<vmem>>) dst(%dma_wait3A_175 : memref<128x256xf32, #tpu.memory_space<hbm>>)
      }
      %mul3A_120 = arith.constant 128 : i32
      %mul3A_121 = arith.muli %select_n3A, %mul3A_120 : i32
      %sub3A_122 = arith.subi %min3A, %mul3A_121 : i32
      %gt3A = arith.constant 0 : i32
      %gt3A_123 = arith.cmpi sgt, %sub3A_122, %gt3A : i32
      %convert_element_type3A_124 = arith.extui %gt3A_123 : i1 to i32
      %cond3A_125 = arith.constant 0 : i32
      %cond3A_126 = arith.cmpi ne, %convert_element_type3A_124, %cond3A_125 : i32
      scf.if %cond3A_126 {
        %mul3A_138 = arith.constant 128 : i32
        %mul3A_139 = arith.muli %select_n3A, %mul3A_138 : i32
        %dma_start3A_140 = arith.constant 0 : i32
        %dma_start3A_141 = arith.constant 0 : i32
        %dma_start3A_142 = tpu.memref_slice %arg7[%dma_start3A_140, %dma_start3A_141] : memref<384x256xf32, #tpu.memory_space<vmem>> -> memref<128x256xf32, #tpu.memory_space<vmem>>
        %dma_start3A_143 = tpu.memref_slice %arg6[%mul3A_139] : memref<2048xi32, #tpu.memory_space<vmem>> -> memref<128xi32, #tpu.memory_space<vmem>>
        %dma_start3A_144 = arith.constant 0 : i32
        %dma_start3A_145 = arith.constant 0 : i32
        %dma_start3A_146 = tpu.memref_slice %arg2[%dma_start3A_144, %dma_start3A_145] : memref<65536x256xf32, #tpu.memory_space<hbm>> -> memref<65536x256xf32, #tpu.memory_space<hbm>>
        tpu.enqueue_indirect_dma source(%dma_start3A_146 : memref<65536x256xf32, #tpu.memory_space<hbm>>) target(%dma_start3A_142 : memref<128x256xf32, #tpu.memory_space<vmem>>) offsets(%dma_start3A_143 : memref<128xi32, #tpu.memory_space<vmem>>) semaphore(%arg8 : memref<!tpu.dma_semaphore, #tpu.memory_space<semaphore_mem>>)
        %dma_wait3A_147 = arith.constant 0 : i32
        %dma_wait3A_148 = arith.constant 0 : i32
        %dma_wait3A_149 = tpu.memref_slice %arg7[%dma_wait3A_147, %dma_wait3A_148] : memref<384x256xf32, #tpu.memory_space<vmem>> -> memref<128x256xf32, #tpu.memory_space<vmem>>
        %dma_wait3A_150 = tpu.memref_slice %arg6[%mul3A_139] : memref<2048xi32, #tpu.memory_space<vmem>> -> memref<128xi32, #tpu.memory_space<vmem>>
        %dma_wait3A_151 = arith.constant 0 : i32
        %dma_wait3A_152 = arith.constant 0 : i32
        %dma_wait3A_153 = tpu.memref_slice %arg2[%dma_wait3A_151, %dma_wait3A_152] : memref<65536x256xf32, #tpu.memory_space<hbm>> -> memref<65536x256xf32, #tpu.memory_space<hbm>>
        tpu.wait_indirect_dma semaphore(%arg8 : memref<!tpu.dma_semaphore, #tpu.memory_space<semaphore_mem>>) src(%dma_wait3A_153 : memref<65536x256xf32, #tpu.memory_space<hbm>>) dst(%dma_wait3A_149 : memref<128x256xf32, #tpu.memory_space<vmem>>)
        %while3A_154 = arith.constant 0 : i32
        %while3A_155 = arith.constant 128 : i32
        %while3A_156 = arith.subi %while3A_155, %sub3A_122 : i32
        %while3A_157 = arith.addi %sub3A_122, %while3A_156 : i32
        %while3A_158 = arith.constant 1 : i32
        %while3A_159 = arith.divsi %while3A_156, %while3A_158 : i32
        %while3A_160 = arith.muli %while3A_159, %while3A_158 : i32
        %while3A_161 = arith.addi %sub3A_122, %while3A_160 : i32
        %while3A_162 = arith.constant 1 : i32
        scf.for %while3A_188 = %sub3A_122 to %while3A_161 step %while3A_162  : i32 {
          %swap3A = arith.constant 0 : i32
          %swap3A_189 = arith.constant 0 : i32
          %swap3A_190 = tpu.memref_slice %arg7[%swap3A, %swap3A_189] : memref<384x256xf32, #tpu.memory_space<vmem>> -> memref<128x256xf32, #tpu.memory_space<vmem>>
          %swap3A_191 = arith.index_cast %while3A_188 : i32 to index
          %swap3A_192 = arith.constant 0 : index
          %swap3A_193 = tpu.vector_load %swap3A_190[%swap3A_191, %swap3A_192] {strides = array<i32>} : memref<128x256xf32, #tpu.memory_space<vmem>>, vector<16xf32>,
          tpu.vector_store %swap3A_190[%swap3A_191, %swap3A_192], %broadcast_in_dim3A_3 {strides = array<i32>} : memref<128x256xf32, #tpu.memory_space<vmem>>, vector<16xf32>,
          %swap3A_194 = arith.constant 0 : i32
          %swap3A_195 = arith.constant 0 : i32
          %swap3A_196 = tpu.memref_slice %arg7[%swap3A_194, %swap3A_195] : memref<384x256xf32, #tpu.memory_space<vmem>> -> memref<128x256xf32, #tpu.memory_space<vmem>>
          %swap3A_197 = arith.index_cast %while3A_188 : i32 to index
          %swap3A_198 = arith.constant 16 : index
          %swap3A_199 = tpu.vector_load %swap3A_196[%swap3A_197, %swap3A_198] {strides = array<i32>} : memref<128x256xf32, #tpu.memory_space<vmem>>, vector<16xf32>,
          tpu.vector_store %swap3A_196[%swap3A_197, %swap3A_198], %broadcast_in_dim3A_3 {strides = array<i32>} : memref<128x256xf32, #tpu.memory_space<vmem>>, vector<16xf32>,
          %swap3A_200 = arith.constant 0 : i32
          %swap3A_201 = arith.constant 0 : i32
          %swap3A_202 = tpu.memref_slice %arg7[%swap3A_200, %swap3A_201] : memref<384x256xf32, #tpu.memory_space<vmem>> -> memref<128x256xf32, #tpu.memory_space<vmem>>
          %swap3A_203 = arith.index_cast %while3A_188 : i32 to index
          %swap3A_204 = arith.constant 32 : index
          %swap3A_205 = tpu.vector_load %swap3A_202[%swap3A_203, %swap3A_204] {strides = array<i32>} : memref<128x256xf32, #tpu.memory_space<vmem>>, vector<16xf32>,
          tpu.vector_store %swap3A_202[%swap3A_203, %swap3A_204], %broadcast_in_dim3A_3 {strides = array<i32>} : memref<128x256xf32, #tpu.memory_space<vmem>>, vector<16xf32>,
          %swap3A_206 = arith.constant 0 : i32
          %swap3A_207 = arith.constant 0 : i32
          %swap3A_208 = tpu.memref_slice %arg7[%swap3A_206, %swap3A_207] : memref<384x256xf32, #tpu.memory_space<vmem>> -> memref<128x256xf32, #tpu.memory_space<vmem>>
          %swap3A_209 = arith.index_cast %while3A_188 : i32 to index
          %swap3A_210 = arith.constant 48 : index
          %swap3A_211 = tpu.vector_load %swap3A_208[%swap3A_209, %swap3A_210] {strides = array<i32>} : memref<128x256xf32, #tpu.memory_space<vmem>>, vector<16xf32>,
          tpu.vector_store %swap3A_208[%swap3A_209, %swap3A_210], %broadcast_in_dim3A_3 {strides = array<i32>} : memref<128x256xf32, #tpu.memory_space<vmem>>, vector<16xf32>,
          %swap3A_212 = arith.constant 0 : i32
          %swap3A_213 = arith.constant 0 : i32
          %swap3A_214 = tpu.memref_slice %arg7[%swap3A_212, %swap3A_213] : memref<384x256xf32, #tpu.memory_space<vmem>> -> memref<128x256xf32, #tpu.memory_space<vmem>>
          %swap3A_215 = arith.index_cast %while3A_188 : i32 to index
          %swap3A_216 = arith.constant 64 : index
          %swap3A_217 = tpu.vector_load %swap3A_214[%swap3A_215, %swap3A_216] {strides = array<i32>} : memref<128x256xf32, #tpu.memory_space<vmem>>, vector<16xf32>,
          tpu.vector_store %swap3A_214[%swap3A_215, %swap3A_216], %broadcast_in_dim3A_3 {strides = array<i32>} : memref<128x256xf32, #tpu.memory_space<vmem>>, vector<16xf32>,
          %swap3A_218 = arith.constant 0 : i32
          %swap3A_219 = arith.constant 0 : i32
          %swap3A_220 = tpu.memref_slice %arg7[%swap3A_218, %swap3A_219] : memref<384x256xf32, #tpu.memory_space<vmem>> -> memref<128x256xf32, #tpu.memory_space<vmem>>
          %swap3A_221 = arith.index_cast %while3A_188 : i32 to index
          %swap3A_222 = arith.constant 80 : index
          %swap3A_223 = tpu.vector_load %swap3A_220[%swap3A_221, %swap3A_222] {strides = array<i32>} : memref<128x256xf32, #tpu.memory_space<vmem>>, vector<16xf32>,
          tpu.vector_store %swap3A_220[%swap3A_221, %swap3A_222], %broadcast_in_dim3A_3 {strides = array<i32>} : memref<128x256xf32, #tpu.memory_space<vmem>>, vector<16xf32>,
          %swap3A_224 = arith.constant 0 : i32
          %swap3A_225 = arith.constant 0 : i32
          %swap3A_226 = tpu.memref_slice %arg7[%swap3A_224, %swap3A_225] : memref<384x256xf32, #tpu.memory_space<vmem>> -> memref<128x256xf32, #tpu.memory_space<vmem>>
          %swap3A_227 = arith.index_cast %while3A_188 : i32 to index
          %swap3A_228 = arith.constant 96 : index
          %swap3A_229 = tpu.vector_load %swap3A_226[%swap3A_227, %swap3A_228] {strides = array<i32>} : memref<128x256xf32, #tpu.memory_space<vmem>>, vector<16xf32>,
          tpu.vector_store %swap3A_226[%swap3A_227, %swap3A_228], %broadcast_in_dim3A_3 {strides = array<i32>} : memref<128x256xf32, #tpu.memory_space<vmem>>, vector<16xf32>,
          %swap3A_230 = arith.constant 0 : i32
          %swap3A_231 = arith.constant 0 : i32
          %swap3A_232 = tpu.memref_slice %arg7[%swap3A_230, %swap3A_231] : memref<384x256xf32, #tpu.memory_space<vmem>> -> memref<128x256xf32, #tpu.memory_space<vmem>>
          %swap3A_233 = arith.index_cast %while3A_188 : i32 to index
          %swap3A_234 = arith.constant 112 : index
          %swap3A_235 = tpu.vector_load %swap3A_232[%swap3A_233, %swap3A_234] {strides = array<i32>} : memref<128x256xf32, #tpu.memory_space<vmem>>, vector<16xf32>,
          tpu.vector_store %swap3A_232[%swap3A_233, %swap3A_234], %broadcast_in_dim3A_3 {strides = array<i32>} : memref<128x256xf32, #tpu.memory_space<vmem>>, vector<16xf32>,
          %swap3A_236 = arith.constant 0 : i32
          %swap3A_237 = arith.constant 0 : i32
          %swap3A_238 = tpu.memref_slice %arg7[%swap3A_236, %swap3A_237] : memref<384x256xf32, #tpu.memory_space<vmem>> -> memref<128x256xf32, #tpu.memory_space<vmem>>
          %swap3A_239 = arith.index_cast %while3A_188 : i32 to index
          %swap3A_240 = arith.constant 128 : index
          %swap3A_241 = tpu.vector_load %swap3A_238[%swap3A_239, %swap3A_240] {strides = array<i32>} : memref<128x256xf32, #tpu.memory_space<vmem>>, vector<16xf32>,
          tpu.vector_store %swap3A_238[%swap3A_239, %swap3A_240], %broadcast_in_dim3A_3 {strides = array<i32>} : memref<128x256xf32, #tpu.memory_space<vmem>>, vector<16xf32>,
          %swap3A_242 = arith.constant 0 : i32
          %swap3A_243 = arith.constant 0 : i32
          %swap3A_244 = tpu.memref_slice %arg7[%swap3A_242, %swap3A_243] : memref<384x256xf32, #tpu.memory_space<vmem>> -> memref<128x256xf32, #tpu.memory_space<vmem>>
          %swap3A_245 = arith.index_cast %while3A_188 : i32 to index
          %swap3A_246 = arith.constant 144 : index
          %swap3A_247 = tpu.vector_load %swap3A_244[%swap3A_245, %swap3A_246] {strides = array<i32>} : memref<128x256xf32, #tpu.memory_space<vmem>>, vector<16xf32>,
          tpu.vector_store %swap3A_244[%swap3A_245, %swap3A_246], %broadcast_in_dim3A_3 {strides = array<i32>} : memref<128x256xf32, #tpu.memory_space<vmem>>, vector<16xf32>,
          %swap3A_248 = arith.constant 0 : i32
          %swap3A_249 = arith.constant 0 : i32
          %swap3A_250 = tpu.memref_slice %arg7[%swap3A_248, %swap3A_249] : memref<384x256xf32, #tpu.memory_space<vmem>> -> memref<128x256xf32, #tpu.memory_space<vmem>>
          %swap3A_251 = arith.index_cast %while3A_188 : i32 to index
          %swap3A_252 = arith.constant 160 : index
          %swap3A_253 = tpu.vector_load %swap3A_250[%swap3A_251, %swap3A_252] {strides = array<i32>} : memref<128x256xf32, #tpu.memory_space<vmem>>, vector<16xf32>,
          tpu.vector_store %swap3A_250[%swap3A_251, %swap3A_252], %broadcast_in_dim3A_3 {strides = array<i32>} : memref<128x256xf32, #tpu.memory_space<vmem>>, vector<16xf32>,
          %swap3A_254 = arith.constant 0 : i32
          %swap3A_255 = arith.constant 0 : i32
          %swap3A_256 = tpu.memref_slice %arg7[%swap3A_254, %swap3A_255] : memref<384x256xf32, #tpu.memory_space<vmem>> -> memref<128x256xf32, #tpu.memory_space<vmem>>
          %swap3A_257 = arith.index_cast %while3A_188 : i32 to index
          %swap3A_258 = arith.constant 176 : index
          %swap3A_259 = tpu.vector_load %swap3A_256[%swap3A_257, %swap3A_258] {strides = array<i32>} : memref<128x256xf32, #tpu.memory_space<vmem>>, vector<16xf32>,
          tpu.vector_store %swap3A_256[%swap3A_257, %swap3A_258], %broadcast_in_dim3A_3 {strides = array<i32>} : memref<128x256xf32, #tpu.memory_space<vmem>>, vector<16xf32>,
          %swap3A_260 = arith.constant 0 : i32
          %swap3A_261 = arith.constant 0 : i32
          %swap3A_262 = tpu.memref_slice %arg7[%swap3A_260, %swap3A_261] : memref<384x256xf32, #tpu.memory_space<vmem>> -> memref<128x256xf32, #tpu.memory_space<vmem>>
          %swap3A_263 = arith.index_cast %while3A_188 : i32 to index
          %swap3A_264 = arith.constant 192 : index
          %swap3A_265 = tpu.vector_load %swap3A_262[%swap3A_263, %swap3A_264] {strides = array<i32>} : memref<128x256xf32, #tpu.memory_space<vmem>>, vector<16xf32>,
          tpu.vector_store %swap3A_262[%swap3A_263, %swap3A_264], %broadcast_in_dim3A_3 {strides = array<i32>} : memref<128x256xf32, #tpu.memory_space<vmem>>, vector<16xf32>,
          %swap3A_266 = arith.constant 0 : i32
          %swap3A_267 = arith.constant 0 : i32
          %swap3A_268 = tpu.memref_slice %arg7[%swap3A_266, %swap3A_267] : memref<384x256xf32, #tpu.memory_space<vmem>> -> memref<128x256xf32, #tpu.memory_space<vmem>>
          %swap3A_269 = arith.index_cast %while3A_188 : i32 to index
          %swap3A_270 = arith.constant 208 : index
          %swap3A_271 = tpu.vector_load %swap3A_268[%swap3A_269, %swap3A_270] {strides = array<i32>} : memref<128x256xf32, #tpu.memory_space<vmem>>, vector<16xf32>,
          tpu.vector_store %swap3A_268[%swap3A_269, %swap3A_270], %broadcast_in_dim3A_3 {strides = array<i32>} : memref<128x256xf32, #tpu.memory_space<vmem>>, vector<16xf32>,
          %swap3A_272 = arith.constant 0 : i32
          %swap3A_273 = arith.constant 0 : i32
          %swap3A_274 = tpu.memref_slice %arg7[%swap3A_272, %swap3A_273] : memref<384x256xf32, #tpu.memory_space<vmem>> -> memref<128x256xf32, #tpu.memory_space<vmem>>
          %swap3A_275 = arith.index_cast %while3A_188 : i32 to index
          %swap3A_276 = arith.constant 224 : index
          %swap3A_277 = tpu.vector_load %swap3A_274[%swap3A_275, %swap3A_276] {strides = array<i32>} : memref<128x256xf32, #tpu.memory_space<vmem>>, vector<16xf32>,
          tpu.vector_store %swap3A_274[%swap3A_275, %swap3A_276], %broadcast_in_dim3A_3 {strides = array<i32>} : memref<128x256xf32, #tpu.memory_space<vmem>>, vector<16xf32>,
          %swap3A_278 = arith.constant 0 : i32
          %swap3A_279 = arith.constant 0 : i32
          %swap3A_280 = tpu.memref_slice %arg7[%swap3A_278, %swap3A_279] : memref<384x256xf32, #tpu.memory_space<vmem>> -> memref<128x256xf32, #tpu.memory_space<vmem>>
          %swap3A_281 = arith.index_cast %while3A_188 : i32 to index
          %swap3A_282 = arith.constant 240 : index
          %swap3A_283 = tpu.vector_load %swap3A_280[%swap3A_281, %swap3A_282] {strides = array<i32>} : memref<128x256xf32, #tpu.memory_space<vmem>>, vector<16xf32>,
          tpu.vector_store %swap3A_280[%swap3A_281, %swap3A_282], %broadcast_in_dim3A_3 {strides = array<i32>} : memref<128x256xf32, #tpu.memory_space<vmem>>, vector<16xf32>,
        }
        %while3A_163 = arith.constant 1 : i32
        scf.for %while3A_188 = %while3A_161 to %while3A_157 step %while3A_163  : i32 {
          %swap3A = arith.constant 0 : i32
          %swap3A_189 = arith.constant 0 : i32
          %swap3A_190 = tpu.memref_slice %arg7[%swap3A, %swap3A_189] : memref<384x256xf32, #tpu.memory_space<vmem>> -> memref<128x256xf32, #tpu.memory_space<vmem>>
          %swap3A_191 = arith.index_cast %while3A_188 : i32 to index
          %swap3A_192 = arith.constant 0 : index
          %swap3A_193 = tpu.vector_load %swap3A_190[%swap3A_191, %swap3A_192] {strides = array<i32>} : memref<128x256xf32, #tpu.memory_space<vmem>>, vector<16xf32>,
          tpu.vector_store %swap3A_190[%swap3A_191, %swap3A_192], %broadcast_in_dim3A_3 {strides = array<i32>} : memref<128x256xf32, #tpu.memory_space<vmem>>, vector<16xf32>,
          %swap3A_194 = arith.constant 0 : i32
          %swap3A_195 = arith.constant 0 : i32
          %swap3A_196 = tpu.memref_slice %arg7[%swap3A_194, %swap3A_195] : memref<384x256xf32, #tpu.memory_space<vmem>> -> memref<128x256xf32, #tpu.memory_space<vmem>>
          %swap3A_197 = arith.index_cast %while3A_188 : i32 to index
          %swap3A_198 = arith.constant 16 : index
          %swap3A_199 = tpu.vector_load %swap3A_196[%swap3A_197, %swap3A_198] {strides = array<i32>} : memref<128x256xf32, #tpu.memory_space<vmem>>, vector<16xf32>,
          tpu.vector_store %swap3A_196[%swap3A_197, %swap3A_198], %broadcast_in_dim3A_3 {strides = array<i32>} : memref<128x256xf32, #tpu.memory_space<vmem>>, vector<16xf32>,
          %swap3A_200 = arith.constant 0 : i32
          %swap3A_201 = arith.constant 0 : i32
          %swap3A_202 = tpu.memref_slice %arg7[%swap3A_200, %swap3A_201] : memref<384x256xf32, #tpu.memory_space<vmem>> -> memref<128x256xf32, #tpu.memory_space<vmem>>
          %swap3A_203 = arith.index_cast %while3A_188 : i32 to index
          %swap3A_204 = arith.constant 32 : index
          %swap3A_205 = tpu.vector_load %swap3A_202[%swap3A_203, %swap3A_204] {strides = array<i32>} : memref<128x256xf32, #tpu.memory_space<vmem>>, vector<16xf32>,
          tpu.vector_store %swap3A_202[%swap3A_203, %swap3A_204], %broadcast_in_dim3A_3 {strides = array<i32>} : memref<128x256xf32, #tpu.memory_space<vmem>>, vector<16xf32>,
          %swap3A_206 = arith.constant 0 : i32
          %swap3A_207 = arith.constant 0 : i32
          %swap3A_208 = tpu.memref_slice %arg7[%swap3A_206, %swap3A_207] : memref<384x256xf32, #tpu.memory_space<vmem>> -> memref<128x256xf32, #tpu.memory_space<vmem>>
          %swap3A_209 = arith.index_cast %while3A_188 : i32 to index
          %swap3A_210 = arith.constant 48 : index
          %swap3A_211 = tpu.vector_load %swap3A_208[%swap3A_209, %swap3A_210] {strides = array<i32>} : memref<128x256xf32, #tpu.memory_space<vmem>>, vector<16xf32>,
          tpu.vector_store %swap3A_208[%swap3A_209, %swap3A_210], %broadcast_in_dim3A_3 {strides = array<i32>} : memref<128x256xf32, #tpu.memory_space<vmem>>, vector<16xf32>,
          %swap3A_212 = arith.constant 0 : i32
          %swap3A_213 = arith.constant 0 : i32
          %swap3A_214 = tpu.memref_slice %arg7[%swap3A_212, %swap3A_213] : memref<384x256xf32, #tpu.memory_space<vmem>> -> memref<128x256xf32, #tpu.memory_space<vmem>>
          %swap3A_215 = arith.index_cast %while3A_188 : i32 to index
          %swap3A_216 = arith.constant 64 : index
          %swap3A_217 = tpu.vector_load %swap3A_214[%swap3A_215, %swap3A_216] {strides = array<i32>} : memref<128x256xf32, #tpu.memory_space<vmem>>, vector<16xf32>,
          tpu.vector_store %swap3A_214[%swap3A_215, %swap3A_216], %broadcast_in_dim3A_3 {strides = array<i32>} : memref<128x256xf32, #tpu.memory_space<vmem>>, vector<16xf32>,
          %swap3A_218 = arith.constant 0 : i32
          %swap3A_219 = arith.constant 0 : i32
          %swap3A_220 = tpu.memref_slice %arg7[%swap3A_218, %swap3A_219] : memref<384x256xf32, #tpu.memory_space<vmem>> -> memref<128x256xf32, #tpu.memory_space<vmem>>
          %swap3A_221 = arith.index_cast %while3A_188 : i32 to index
          %swap3A_222 = arith.constant 80 : index
          %swap3A_223 = tpu.vector_load %swap3A_220[%swap3A_221, %swap3A_222] {strides = array<i32>} : memref<128x256xf32, #tpu.memory_space<vmem>>, vector<16xf32>,
          tpu.vector_store %swap3A_220[%swap3A_221, %swap3A_222], %broadcast_in_dim3A_3 {strides = array<i32>} : memref<128x256xf32, #tpu.memory_space<vmem>>, vector<16xf32>,
          %swap3A_224 = arith.constant 0 : i32
          %swap3A_225 = arith.constant 0 : i32
          %swap3A_226 = tpu.memref_slice %arg7[%swap3A_224, %swap3A_225] : memref<384x256xf32, #tpu.memory_space<vmem>> -> memref<128x256xf32, #tpu.memory_space<vmem>>
          %swap3A_227 = arith.index_cast %while3A_188 : i32 to index
          %swap3A_228 = arith.constant 96 : index
          %swap3A_229 = tpu.vector_load %swap3A_226[%swap3A_227, %swap3A_228] {strides = array<i32>} : memref<128x256xf32, #tpu.memory_space<vmem>>, vector<16xf32>,
          tpu.vector_store %swap3A_226[%swap3A_227, %swap3A_228], %broadcast_in_dim3A_3 {strides = array<i32>} : memref<128x256xf32, #tpu.memory_space<vmem>>, vector<16xf32>,
          %swap3A_230 = arith.constant 0 : i32
          %swap3A_231 = arith.constant 0 : i32
          %swap3A_232 = tpu.memref_slice %arg7[%swap3A_230, %swap3A_231] : memref<384x256xf32, #tpu.memory_space<vmem>> -> memref<128x256xf32, #tpu.memory_space<vmem>>
          %swap3A_233 = arith.index_cast %while3A_188 : i32 to index
          %swap3A_234 = arith.constant 112 : index
          %swap3A_235 = tpu.vector_load %swap3A_232[%swap3A_233, %swap3A_234] {strides = array<i32>} : memref<128x256xf32, #tpu.memory_space<vmem>>, vector<16xf32>,
          tpu.vector_store %swap3A_232[%swap3A_233, %swap3A_234], %broadcast_in_dim3A_3 {strides = array<i32>} : memref<128x256xf32, #tpu.memory_space<vmem>>, vector<16xf32>,
          %swap3A_236 = arith.constant 0 : i32
          %swap3A_237 = arith.constant 0 : i32
          %swap3A_238 = tpu.memref_slice %arg7[%swap3A_236, %swap3A_237] : memref<384x256xf32, #tpu.memory_space<vmem>> -> memref<128x256xf32, #tpu.memory_space<vmem>>
          %swap3A_239 = arith.index_cast %while3A_188 : i32 to index
          %swap3A_240 = arith.constant 128 : index
          %swap3A_241 = tpu.vector_load %swap3A_238[%swap3A_239, %swap3A_240] {strides = array<i32>} : memref<128x256xf32, #tpu.memory_space<vmem>>, vector<16xf32>,
          tpu.vector_store %swap3A_238[%swap3A_239, %swap3A_240], %broadcast_in_dim3A_3 {strides = array<i32>} : memref<128x256xf32, #tpu.memory_space<vmem>>, vector<16xf32>,
          %swap3A_242 = arith.constant 0 : i32
          %swap3A_243 = arith.constant 0 : i32
          %swap3A_244 = tpu.memref_slice %arg7[%swap3A_242, %swap3A_243] : memref<384x256xf32, #tpu.memory_space<vmem>> -> memref<128x256xf32, #tpu.memory_space<vmem>>
          %swap3A_245 = arith.index_cast %while3A_188 : i32 to index
          %swap3A_246 = arith.constant 144 : index
          %swap3A_247 = tpu.vector_load %swap3A_244[%swap3A_245, %swap3A_246] {strides = array<i32>} : memref<128x256xf32, #tpu.memory_space<vmem>>, vector<16xf32>,
          tpu.vector_store %swap3A_244[%swap3A_245, %swap3A_246], %broadcast_in_dim3A_3 {strides = array<i32>} : memref<128x256xf32, #tpu.memory_space<vmem>>, vector<16xf32>,
          %swap3A_248 = arith.constant 0 : i32
          %swap3A_249 = arith.constant 0 : i32
          %swap3A_250 = tpu.memref_slice %arg7[%swap3A_248, %swap3A_249] : memref<384x256xf32, #tpu.memory_space<vmem>> -> memref<128x256xf32, #tpu.memory_space<vmem>>
          %swap3A_251 = arith.index_cast %while3A_188 : i32 to index
          %swap3A_252 = arith.constant 160 : index
          %swap3A_253 = tpu.vector_load %swap3A_250[%swap3A_251, %swap3A_252] {strides = array<i32>} : memref<128x256xf32, #tpu.memory_space<vmem>>, vector<16xf32>,
          tpu.vector_store %swap3A_250[%swap3A_251, %swap3A_252], %broadcast_in_dim3A_3 {strides = array<i32>} : memref<128x256xf32, #tpu.memory_space<vmem>>, vector<16xf32>,
          %swap3A_254 = arith.constant 0 : i32
          %swap3A_255 = arith.constant 0 : i32
          %swap3A_256 = tpu.memref_slice %arg7[%swap3A_254, %swap3A_255] : memref<384x256xf32, #tpu.memory_space<vmem>> -> memref<128x256xf32, #tpu.memory_space<vmem>>
          %swap3A_257 = arith.index_cast %while3A_188 : i32 to index
          %swap3A_258 = arith.constant 176 : index
          %swap3A_259 = tpu.vector_load %swap3A_256[%swap3A_257, %swap3A_258] {strides = array<i32>} : memref<128x256xf32, #tpu.memory_space<vmem>>, vector<16xf32>,
          tpu.vector_store %swap3A_256[%swap3A_257, %swap3A_258], %broadcast_in_dim3A_3 {strides = array<i32>} : memref<128x256xf32, #tpu.memory_space<vmem>>, vector<16xf32>,
          %swap3A_260 = arith.constant 0 : i32
          %swap3A_261 = arith.constant 0 : i32
          %swap3A_262 = tpu.memref_slice %arg7[%swap3A_260, %swap3A_261] : memref<384x256xf32, #tpu.memory_space<vmem>> -> memref<128x256xf32, #tpu.memory_space<vmem>>
          %swap3A_263 = arith.index_cast %while3A_188 : i32 to index
          %swap3A_264 = arith.constant 192 : index
          %swap3A_265 = tpu.vector_load %swap3A_262[%swap3A_263, %swap3A_264] {strides = array<i32>} : memref<128x256xf32, #tpu.memory_space<vmem>>, vector<16xf32>,
          tpu.vector_store %swap3A_262[%swap3A_263, %swap3A_264], %broadcast_in_dim3A_3 {strides = array<i32>} : memref<128x256xf32, #tpu.memory_space<vmem>>, vector<16xf32>,
          %swap3A_266 = arith.constant 0 : i32
          %swap3A_267 = arith.constant 0 : i32
          %swap3A_268 = tpu.memref_slice %arg7[%swap3A_266, %swap3A_267] : memref<384x256xf32, #tpu.memory_space<vmem>> -> memref<128x256xf32, #tpu.memory_space<vmem>>
          %swap3A_269 = arith.index_cast %while3A_188 : i32 to index
          %swap3A_270 = arith.constant 208 : index
          %swap3A_271 = tpu.vector_load %swap3A_268[%swap3A_269, %swap3A_270] {strides = array<i32>} : memref<128x256xf32, #tpu.memory_space<vmem>>, vector<16xf32>,
          tpu.vector_store %swap3A_268[%swap3A_269, %swap3A_270], %broadcast_in_dim3A_3 {strides = array<i32>} : memref<128x256xf32, #tpu.memory_space<vmem>>, vector<16xf32>,
          %swap3A_272 = arith.constant 0 : i32
          %swap3A_273 = arith.constant 0 : i32
          %swap3A_274 = tpu.memref_slice %arg7[%swap3A_272, %swap3A_273] : memref<384x256xf32, #tpu.memory_space<vmem>> -> memref<128x256xf32, #tpu.memory_space<vmem>>
          %swap3A_275 = arith.index_cast %while3A_188 : i32 to index
          %swap3A_276 = arith.constant 224 : index
          %swap3A_277 = tpu.vector_load %swap3A_274[%swap3A_275, %swap3A_276] {strides = array<i32>} : memref<128x256xf32, #tpu.memory_space<vmem>>, vector<16xf32>,
          tpu.vector_store %swap3A_274[%swap3A_275, %swap3A_276], %broadcast_in_dim3A_3 {strides = array<i32>} : memref<128x256xf32, #tpu.memory_space<vmem>>, vector<16xf32>,
          %swap3A_278 = arith.constant 0 : i32
          %swap3A_279 = arith.constant 0 : i32
          %swap3A_280 = tpu.memref_slice %arg7[%swap3A_278, %swap3A_279] : memref<384x256xf32, #tpu.memory_space<vmem>> -> memref<128x256xf32, #tpu.memory_space<vmem>>
          %swap3A_281 = arith.index_cast %while3A_188 : i32 to index
          %swap3A_282 = arith.constant 240 : index
          %swap3A_283 = tpu.vector_load %swap3A_280[%swap3A_281, %swap3A_282] {strides = array<i32>} : memref<128x256xf32, #tpu.memory_space<vmem>>, vector<16xf32>,
          tpu.vector_store %swap3A_280[%swap3A_281, %swap3A_282], %broadcast_in_dim3A_3 {strides = array<i32>} : memref<128x256xf32, #tpu.memory_space<vmem>>, vector<16xf32>,
        }
        %mul3A_164 = arith.constant 128 : i32
        %mul3A_165 = arith.muli %select_n3A, %mul3A_164 : i32
        %add3A_166 = arith.addi %mul3A_2, %mul3A_165 : i32
        %multiple_of3A_167 = tpu.assume_multiple %add3A_166, 128 : i32
        %dma_start3A_168 = arith.constant 0 : i32
        %dma_start3A_169 = arith.constant 0 : i32
        %dma_start3A_170 = tpu.memref_slice %arg7[%dma_start3A_168, %dma_start3A_169] : memref<384x256xf32, #tpu.memory_space<vmem>> -> memref<128x256xf32, #tpu.memory_space<vmem>>
        %dma_start3A_171 = arith.constant 0 : i32
        %dma_start3A_172 = tpu.memref_slice %arg4[%multiple_of3A_167, %dma_start3A_171] : memref<65536x256xf32, #tpu.memory_space<hbm>> -> memref<128x256xf32, #tpu.memory_space<hbm>>
        %dma_start3A_173 = arith.constant 0 : i32
        %dma_start3A_174 = tpu.memref_slice %arg4[%multiple_of3A_167, %dma_start3A_173] : memref<65536x256xf32, #tpu.memory_space<hbm>> -> memref<128x256xf32, #tpu.memory_space<hbm>>
        %dma_start3A_175 = arith.constant 0 : i32
        %dma_start3A_176 = arith.constant 0 : i32
        %dma_start3A_177 = tpu.memref_slice %arg7[%dma_start3A_175, %dma_start3A_176] : memref<384x256xf32, #tpu.memory_space<vmem>> -> memref<128x256xf32, #tpu.memory_space<vmem>>
        tpu.enqueue_dma source(%dma_start3A_177 : memref<128x256xf32, #tpu.memory_space<vmem>>) target(%dma_start3A_174 : memref<128x256xf32, #tpu.memory_space<hbm>>) target_semaphore(%arg9 : memref<!tpu.dma_semaphore, #tpu.memory_space<semaphore_mem>>)
        %dma_wait3A_178 = arith.constant 0 : i32
        %dma_wait3A_179 = arith.constant 0 : i32
        %dma_wait3A_180 = tpu.memref_slice %arg7[%dma_wait3A_178, %dma_wait3A_179] : memref<384x256xf32, #tpu.memory_space<vmem>> -> memref<128x256xf32, #tpu.memory_space<vmem>>
        %dma_wait3A_181 = arith.constant 0 : i32
        %dma_wait3A_182 = tpu.memref_slice %arg4[%multiple_of3A_167, %dma_wait3A_181] : memref<65536x256xf32, #tpu.memory_space<hbm>> -> memref<128x256xf32, #tpu.memory_space<hbm>>
        %dma_wait3A_183 = arith.constant 0 : i32
        %dma_wait3A_184 = tpu.memref_slice %arg4[%multiple_of3A_167, %dma_wait3A_183] : memref<65536x256xf32, #tpu.memory_space<hbm>> -> memref<128x256xf32, #tpu.memory_space<hbm>>
        %dma_wait3A_185 = arith.constant 0 : i32
        %dma_wait3A_186 = arith.constant 0 : i32
        %dma_wait3A_187 = tpu.memref_slice %arg7[%dma_wait3A_185, %dma_wait3A_186] : memref<384x256xf32, #tpu.memory_space<vmem>> -> memref<128x256xf32, #tpu.memory_space<vmem>>
        tpu.wait_dma2 semaphore(%arg9 : memref<!tpu.dma_semaphore, #tpu.memory_space<semaphore_mem>>) src(%dma_wait3A_187 : memref<128x256xf32, #tpu.memory_space<vmem>>) dst(%dma_wait3A_184 : memref<128x256xf32, #tpu.memory_space<hbm>>)
      } else {
      }
      %gt3A_127 = arith.constant 0 : i32
      %gt3A_128 = arith.cmpi sgt, %sub3A_122, %gt3A_127 : i32
      %jit3A_129 = arith.constant 1 : i32
      %jit3A_130 = arith.constant 0 : i32
      %select_n3A_131 = arith.select %gt3A_128, %jit3A_129, %jit3A_130 : i32
      %add3A_132 = arith.addi %select_n3A, %select_n3A_131 : i32
      %lt3A_133 = arith.constant 16 : i32
      %lt3A_134 = arith.cmpi slt, %add3A_132, %lt3A_133 : i32
      %convert_element_type3A_135 = arith.extui %lt3A_134 : i1 to i32
      %cond3A_136 = arith.constant 0 : i32
      %cond3A_137 = arith.cmpi ne, %convert_element_type3A_135, %cond3A_136 : i32
      scf.if %cond3A_137 {
        %scan3A_138 = arith.constant 0 : i32
        %scan3A_139 = arith.constant 0 : i32
        %scan3A_140 = arith.constant 128 : i32
        %scan3A_141 = arith.addi %scan3A_139, %scan3A_140 : i32
        %scan3A_142 = arith.constant 1 : i32
        scf.for %scan3A_154 = %scan3A_139 to %scan3A_141 step %scan3A_142  : i32 {
          %swap3A = arith.constant 0 : i32
          %swap3A_155 = arith.constant 0 : i32
          %swap3A_156 = tpu.memref_slice %arg7[%swap3A, %swap3A_155] : memref<384x256xf32, #tpu.memory_space<vmem>> -> memref<128x256xf32, #tpu.memory_space<vmem>>
          %swap3A_157 = arith.index_cast %scan3A_154 : i32 to index
          %swap3A_158 = arith.constant 0 : index
          %swap3A_159 = tpu.vector_load %swap3A_156[%swap3A_157, %swap3A_158] {strides = array<i32>} : memref<128x256xf32, #tpu.memory_space<vmem>>, vector<16xf32>,
          tpu.vector_store %swap3A_156[%swap3A_157, %swap3A_158], %broadcast_in_dim3A_3 {strides = array<i32>} : memref<128x256xf32, #tpu.memory_space<vmem>>, vector<16xf32>,
          %swap3A_160 = arith.constant 0 : i32
          %swap3A_161 = arith.constant 0 : i32
          %swap3A_162 = tpu.memref_slice %arg7[%swap3A_160, %swap3A_161] : memref<384x256xf32, #tpu.memory_space<vmem>> -> memref<128x256xf32, #tpu.memory_space<vmem>>
          %swap3A_163 = arith.index_cast %scan3A_154 : i32 to index
          %swap3A_164 = arith.constant 16 : index
          %swap3A_165 = tpu.vector_load %swap3A_162[%swap3A_163, %swap3A_164] {strides = array<i32>} : memref<128x256xf32, #tpu.memory_space<vmem>>, vector<16xf32>,
          tpu.vector_store %swap3A_162[%swap3A_163, %swap3A_164], %broadcast_in_dim3A_3 {strides = array<i32>} : memref<128x256xf32, #tpu.memory_space<vmem>>, vector<16xf32>,
          %swap3A_166 = arith.constant 0 : i32
          %swap3A_167 = arith.constant 0 : i32
          %swap3A_168 = tpu.memref_slice %arg7[%swap3A_166, %swap3A_167] : memref<384x256xf32, #tpu.memory_space<vmem>> -> memref<128x256xf32, #tpu.memory_space<vmem>>
          %swap3A_169 = arith.index_cast %scan3A_154 : i32 to index
          %swap3A_170 = arith.constant 32 : index
          %swap3A_171 = tpu.vector_load %swap3A_168[%swap3A_169, %swap3A_170] {strides = array<i32>} : memref<128x256xf32, #tpu.memory_space<vmem>>, vector<16xf32>,
          tpu.vector_store %swap3A_168[%swap3A_169, %swap3A_170], %broadcast_in_dim3A_3 {strides = array<i32>} : memref<128x256xf32, #tpu.memory_space<vmem>>, vector<16xf32>,
          %swap3A_172 = arith.constant 0 : i32
          %swap3A_173 = arith.constant 0 : i32
          %swap3A_174 = tpu.memref_slice %arg7[%swap3A_172, %swap3A_173] : memref<384x256xf32, #tpu.memory_space<vmem>> -> memref<128x256xf32, #tpu.memory_space<vmem>>
          %swap3A_175 = arith.index_cast %scan3A_154 : i32 to index
          %swap3A_176 = arith.constant 48 : index
          %swap3A_177 = tpu.vector_load %swap3A_174[%swap3A_175, %swap3A_176] {strides = array<i32>} : memref<128x256xf32, #tpu.memory_space<vmem>>, vector<16xf32>,
          tpu.vector_store %swap3A_174[%swap3A_175, %swap3A_176], %broadcast_in_dim3A_3 {strides = array<i32>} : memref<128x256xf32, #tpu.memory_space<vmem>>, vector<16xf32>,
          %swap3A_178 = arith.constant 0 : i32
          %swap3A_179 = arith.constant 0 : i32
          %swap3A_180 = tpu.memref_slice %arg7[%swap3A_178, %swap3A_179] : memref<384x256xf32, #tpu.memory_space<vmem>> -> memref<128x256xf32, #tpu.memory_space<vmem>>
          %swap3A_181 = arith.index_cast %scan3A_154 : i32 to index
          %swap3A_182 = arith.constant 64 : index
          %swap3A_183 = tpu.vector_load %swap3A_180[%swap3A_181, %swap3A_182] {strides = array<i32>} : memref<128x256xf32, #tpu.memory_space<vmem>>, vector<16xf32>,
          tpu.vector_store %swap3A_180[%swap3A_181, %swap3A_182], %broadcast_in_dim3A_3 {strides = array<i32>} : memref<128x256xf32, #tpu.memory_space<vmem>>, vector<16xf32>,
          %swap3A_184 = arith.constant 0 : i32
          %swap3A_185 = arith.constant 0 : i32
          %swap3A_186 = tpu.memref_slice %arg7[%swap3A_184, %swap3A_185] : memref<384x256xf32, #tpu.memory_space<vmem>> -> memref<128x256xf32, #tpu.memory_space<vmem>>
          %swap3A_187 = arith.index_cast %scan3A_154 : i32 to index
          %swap3A_188 = arith.constant 80 : index
          %swap3A_189 = tpu.vector_load %swap3A_186[%swap3A_187, %swap3A_188] {strides = array<i32>} : memref<128x256xf32, #tpu.memory_space<vmem>>, vector<16xf32>,
          tpu.vector_store %swap3A_186[%swap3A_187, %swap3A_188], %broadcast_in_dim3A_3 {strides = array<i32>} : memref<128x256xf32, #tpu.memory_space<vmem>>, vector<16xf32>,
          %swap3A_190 = arith.constant 0 : i32
          %swap3A_191 = arith.constant 0 : i32
          %swap3A_192 = tpu.memref_slice %arg7[%swap3A_190, %swap3A_191] : memref<384x256xf32, #tpu.memory_space<vmem>> -> memref<128x256xf32, #tpu.memory_space<vmem>>
          %swap3A_193 = arith.index_cast %scan3A_154 : i32 to index
          %swap3A_194 = arith.constant 96 : index
          %swap3A_195 = tpu.vector_load %swap3A_192[%swap3A_193, %swap3A_194] {strides = array<i32>} : memref<128x256xf32, #tpu.memory_space<vmem>>, vector<16xf32>,
          tpu.vector_store %swap3A_192[%swap3A_193, %swap3A_194], %broadcast_in_dim3A_3 {strides = array<i32>} : memref<128x256xf32, #tpu.memory_space<vmem>>, vector<16xf32>,
          %swap3A_196 = arith.constant 0 : i32
          %swap3A_197 = arith.constant 0 : i32
          %swap3A_198 = tpu.memref_slice %arg7[%swap3A_196, %swap3A_197] : memref<384x256xf32, #tpu.memory_space<vmem>> -> memref<128x256xf32, #tpu.memory_space<vmem>>
          %swap3A_199 = arith.index_cast %scan3A_154 : i32 to index
          %swap3A_200 = arith.constant 112 : index
          %swap3A_201 = tpu.vector_load %swap3A_198[%swap3A_199, %swap3A_200] {strides = array<i32>} : memref<128x256xf32, #tpu.memory_space<vmem>>, vector<16xf32>,
          tpu.vector_store %swap3A_198[%swap3A_199, %swap3A_200], %broadcast_in_dim3A_3 {strides = array<i32>} : memref<128x256xf32, #tpu.memory_space<vmem>>, vector<16xf32>,
          %swap3A_202 = arith.constant 0 : i32
          %swap3A_203 = arith.constant 0 : i32
          %swap3A_204 = tpu.memref_slice %arg7[%swap3A_202, %swap3A_203] : memref<384x256xf32, #tpu.memory_space<vmem>> -> memref<128x256xf32, #tpu.memory_space<vmem>>
          %swap3A_205 = arith.index_cast %scan3A_154 : i32 to index
          %swap3A_206 = arith.constant 128 : index
          %swap3A_207 = tpu.vector_load %swap3A_204[%swap3A_205, %swap3A_206] {strides = array<i32>} : memref<128x256xf32, #tpu.memory_space<vmem>>, vector<16xf32>,
          tpu.vector_store %swap3A_204[%swap3A_205, %swap3A_206], %broadcast_in_dim3A_3 {strides = array<i32>} : memref<128x256xf32, #tpu.memory_space<vmem>>, vector<16xf32>,
          %swap3A_208 = arith.constant 0 : i32
          %swap3A_209 = arith.constant 0 : i32
          %swap3A_210 = tpu.memref_slice %arg7[%swap3A_208, %swap3A_209] : memref<384x256xf32, #tpu.memory_space<vmem>> -> memref<128x256xf32, #tpu.memory_space<vmem>>
          %swap3A_211 = arith.index_cast %scan3A_154 : i32 to index
          %swap3A_212 = arith.constant 144 : index
          %swap3A_213 = tpu.vector_load %swap3A_210[%swap3A_211, %swap3A_212] {strides = array<i32>} : memref<128x256xf32, #tpu.memory_space<vmem>>, vector<16xf32>,
          tpu.vector_store %swap3A_210[%swap3A_211, %swap3A_212], %broadcast_in_dim3A_3 {strides = array<i32>} : memref<128x256xf32, #tpu.memory_space<vmem>>, vector<16xf32>,
          %swap3A_214 = arith.constant 0 : i32
          %swap3A_215 = arith.constant 0 : i32
          %swap3A_216 = tpu.memref_slice %arg7[%swap3A_214, %swap3A_215] : memref<384x256xf32, #tpu.memory_space<vmem>> -> memref<128x256xf32, #tpu.memory_space<vmem>>
          %swap3A_217 = arith.index_cast %scan3A_154 : i32 to index
          %swap3A_218 = arith.constant 160 : index
          %swap3A_219 = tpu.vector_load %swap3A_216[%swap3A_217, %swap3A_218] {strides = array<i32>} : memref<128x256xf32, #tpu.memory_space<vmem>>, vector<16xf32>,
          tpu.vector_store %swap3A_216[%swap3A_217, %swap3A_218], %broadcast_in_dim3A_3 {strides = array<i32>} : memref<128x256xf32, #tpu.memory_space<vmem>>, vector<16xf32>,
          %swap3A_220 = arith.constant 0 : i32
          %swap3A_221 = arith.constant 0 : i32
          %swap3A_222 = tpu.memref_slice %arg7[%swap3A_220, %swap3A_221] : memref<384x256xf32, #tpu.memory_space<vmem>> -> memref<128x256xf32, #tpu.memory_space<vmem>>
          %swap3A_223 = arith.index_cast %scan3A_154 : i32 to index
          %swap3A_224 = arith.constant 176 : index
          %swap3A_225 = tpu.vector_load %swap3A_222[%swap3A_223, %swap3A_224] {strides = array<i32>} : memref<128x256xf32, #tpu.memory_space<vmem>>, vector<16xf32>,
          tpu.vector_store %swap3A_222[%swap3A_223, %swap3A_224], %broadcast_in_dim3A_3 {strides = array<i32>} : memref<128x256xf32, #tpu.memory_space<vmem>>, vector<16xf32>,
          %swap3A_226 = arith.constant 0 : i32
          %swap3A_227 = arith.constant 0 : i32
          %swap3A_228 = tpu.memref_slice %arg7[%swap3A_226, %swap3A_227] : memref<384x256xf32, #tpu.memory_space<vmem>> -> memref<128x256xf32, #tpu.memory_space<vmem>>
          %swap3A_229 = arith.index_cast %scan3A_154 : i32 to index
          %swap3A_230 = arith.constant 192 : index
          %swap3A_231 = tpu.vector_load %swap3A_228[%swap3A_229, %swap3A_230] {strides = array<i32>} : memref<128x256xf32, #tpu.memory_space<vmem>>, vector<16xf32>,
          tpu.vector_store %swap3A_228[%swap3A_229, %swap3A_230], %broadcast_in_dim3A_3 {strides = array<i32>} : memref<128x256xf32, #tpu.memory_space<vmem>>, vector<16xf32>,
          %swap3A_232 = arith.constant 0 : i32
          %swap3A_233 = arith.constant 0 : i32
          %swap3A_234 = tpu.memref_slice %arg7[%swap3A_232, %swap3A_233] : memref<384x256xf32, #tpu.memory_space<vmem>> -> memref<128x256xf32, #tpu.memory_space<vmem>>
          %swap3A_235 = arith.index_cast %scan3A_154 : i32 to index
          %swap3A_236 = arith.constant 208 : index
          %swap3A_237 = tpu.vector_load %swap3A_234[%swap3A_235, %swap3A_236] {strides = array<i32>} : memref<128x256xf32, #tpu.memory_space<vmem>>, vector<16xf32>,
          tpu.vector_store %swap3A_234[%swap3A_235, %swap3A_236], %broadcast_in_dim3A_3 {strides = array<i32>} : memref<128x256xf32, #tpu.memory_space<vmem>>, vector<16xf32>,
          %swap3A_238 = arith.constant 0 : i32
          %swap3A_239 = arith.constant 0 : i32
          %swap3A_240 = tpu.memref_slice %arg7[%swap3A_238, %swap3A_239] : memref<384x256xf32, #tpu.memory_space<vmem>> -> memref<128x256xf32, #tpu.memory_space<vmem>>
          %swap3A_241 = arith.index_cast %scan3A_154 : i32 to index
          %swap3A_242 = arith.constant 224 : index
          %swap3A_243 = tpu.vector_load %swap3A_240[%swap3A_241, %swap3A_242] {strides = array<i32>} : memref<128x256xf32, #tpu.memory_space<vmem>>, vector<16xf32>,
          tpu.vector_store %swap3A_240[%swap3A_241, %swap3A_242], %broadcast_in_dim3A_3 {strides = array<i32>} : memref<128x256xf32, #tpu.memory_space<vmem>>, vector<16xf32>,
          %swap3A_244 = arith.constant 0 : i32
          %swap3A_245 = arith.constant 0 : i32
          %swap3A_246 = tpu.memref_slice %arg7[%swap3A_244, %swap3A_245] : memref<384x256xf32, #tpu.memory_space<vmem>> -> memref<128x256xf32, #tpu.memory_space<vmem>>
          %swap3A_247 = arith.index_cast %scan3A_154 : i32 to index
          %swap3A_248 = arith.constant 240 : index
          %swap3A_249 = tpu.vector_load %swap3A_246[%swap3A_247, %swap3A_248] {strides = array<i32>} : memref<128x256xf32, #tpu.memory_space<vmem>>, vector<16xf32>,
          tpu.vector_store %swap3A_246[%swap3A_247, %swap3A_248], %broadcast_in_dim3A_3 {strides = array<i32>} : memref<128x256xf32, #tpu.memory_space<vmem>>, vector<16xf32>,
        }
        %scan3A_143 = arith.constant 128 : i32
        %while3A_144 = arith.constant 0 : i32
        %while3A_145 = arith.constant 16 : i32
        %while3A_146 = arith.subi %while3A_145, %add3A_132 : i32
        %while3A_147 = arith.addi %add3A_132, %while3A_146 : i32
        %while3A_148 = arith.constant 1 : i32
        %while3A_149 = arith.divsi %while3A_146, %while3A_148 : i32
        %while3A_150 = arith.muli %while3A_149, %while3A_148 : i32
        %while3A_151 = arith.addi %add3A_132, %while3A_150 : i32
        %while3A_152 = arith.constant 1 : i32
        scf.for %while3A_154 = %add3A_132 to %while3A_151 step %while3A_152  : i32 {
          %mul3A_155 = arith.constant 128 : i32
          %mul3A_156 = arith.muli %while3A_154, %mul3A_155 : i32
          %add3A_157 = arith.addi %mul3A_2, %mul3A_156 : i32
          %multiple_of3A_158 = tpu.assume_multiple %add3A_157, 128 : i32
          %dma_start3A_159 = arith.constant 0 : i32
          %dma_start3A_160 = arith.constant 0 : i32
          %dma_start3A_161 = tpu.memref_slice %arg7[%dma_start3A_159, %dma_start3A_160] : memref<384x256xf32, #tpu.memory_space<vmem>> -> memref<128x256xf32, #tpu.memory_space<vmem>>
          %dma_start3A_162 = arith.constant 0 : i32
          %dma_start3A_163 = tpu.memref_slice %arg4[%multiple_of3A_158, %dma_start3A_162] : memref<65536x256xf32, #tpu.memory_space<hbm>> -> memref<128x256xf32, #tpu.memory_space<hbm>>
          %dma_start3A_164 = arith.constant 0 : i32
          %dma_start3A_165 = tpu.memref_slice %arg4[%multiple_of3A_158, %dma_start3A_164] : memref<65536x256xf32, #tpu.memory_space<hbm>> -> memref<128x256xf32, #tpu.memory_space<hbm>>
          %dma_start3A_166 = arith.constant 0 : i32
          %dma_start3A_167 = arith.constant 0 : i32
          %dma_start3A_168 = tpu.memref_slice %arg7[%dma_start3A_166, %dma_start3A_167] : memref<384x256xf32, #tpu.memory_space<vmem>> -> memref<128x256xf32, #tpu.memory_space<vmem>>
          tpu.enqueue_dma source(%dma_start3A_168 : memref<128x256xf32, #tpu.memory_space<vmem>>) target(%dma_start3A_165 : memref<128x256xf32, #tpu.memory_space<hbm>>) target_semaphore(%arg9 : memref<!tpu.dma_semaphore, #tpu.memory_space<semaphore_mem>>)
          %dma_wait3A_169 = arith.constant 0 : i32
          %dma_wait3A_170 = arith.constant 0 : i32
          %dma_wait3A_171 = tpu.memref_slice %arg7[%dma_wait3A_169, %dma_wait3A_170] : memref<384x256xf32, #tpu.memory_space<vmem>> -> memref<128x256xf32, #tpu.memory_space<vmem>>
          %dma_wait3A_172 = arith.constant 0 : i32
          %dma_wait3A_173 = tpu.memref_slice %arg4[%multiple_of3A_158, %dma_wait3A_172] : memref<65536x256xf32, #tpu.memory_space<hbm>> -> memref<128x256xf32, #tpu.memory_space<hbm>>
          %dma_wait3A_174 = arith.constant 0 : i32
          %dma_wait3A_175 = tpu.memref_slice %arg4[%multiple_of3A_158, %dma_wait3A_174] : memref<65536x256xf32, #tpu.memory_space<hbm>> -> memref<128x256xf32, #tpu.memory_space<hbm>>
          %dma_wait3A_176 = arith.constant 0 : i32
          %dma_wait3A_177 = arith.constant 0 : i32
          %dma_wait3A_178 = tpu.memref_slice %arg7[%dma_wait3A_176, %dma_wait3A_177] : memref<384x256xf32, #tpu.memory_space<vmem>> -> memref<128x256xf32, #tpu.memory_space<vmem>>
          tpu.wait_dma2 semaphore(%arg9 : memref<!tpu.dma_semaphore, #tpu.memory_space<semaphore_mem>>) src(%dma_wait3A_178 : memref<128x256xf32, #tpu.memory_space<vmem>>) dst(%dma_wait3A_175 : memref<128x256xf32, #tpu.memory_space<hbm>>)
        }
        %while3A_153 = arith.constant 1 : i32
        scf.for %while3A_154 = %while3A_151 to %while3A_147 step %while3A_153  : i32 {
          %mul3A_155 = arith.constant 128 : i32
          %mul3A_156 = arith.muli %while3A_154, %mul3A_155 : i32
          %add3A_157 = arith.addi %mul3A_2, %mul3A_156 : i32
          %multiple_of3A_158 = tpu.assume_multiple %add3A_157, 128 : i32
          %dma_start3A_159 = arith.constant 0 : i32
          %dma_start3A_160 = arith.constant 0 : i32
          %dma_start3A_161 = tpu.memref_slice %arg7[%dma_start3A_159, %dma_start3A_160] : memref<384x256xf32, #tpu.memory_space<vmem>> -> memref<128x256xf32, #tpu.memory_space<vmem>>
          %dma_start3A_162 = arith.constant 0 : i32
          %dma_start3A_163 = tpu.memref_slice %arg4[%multiple_of3A_158, %dma_start3A_162] : memref<65536x256xf32, #tpu.memory_space<hbm>> -> memref<128x256xf32, #tpu.memory_space<hbm>>
          %dma_start3A_164 = arith.constant 0 : i32
          %dma_start3A_165 = tpu.memref_slice %arg4[%multiple_of3A_158, %dma_start3A_164] : memref<65536x256xf32, #tpu.memory_space<hbm>> -> memref<128x256xf32, #tpu.memory_space<hbm>>
          %dma_start3A_166 = arith.constant 0 : i32
          %dma_start3A_167 = arith.constant 0 : i32
          %dma_start3A_168 = tpu.memref_slice %arg7[%dma_start3A_166, %dma_start3A_167] : memref<384x256xf32, #tpu.memory_space<vmem>> -> memref<128x256xf32, #tpu.memory_space<vmem>>
          tpu.enqueue_dma source(%dma_start3A_168 : memref<128x256xf32, #tpu.memory_space<vmem>>) target(%dma_start3A_165 : memref<128x256xf32, #tpu.memory_space<hbm>>) target_semaphore(%arg9 : memref<!tpu.dma_semaphore, #tpu.memory_space<semaphore_mem>>)
          %dma_wait3A_169 = arith.constant 0 : i32
          %dma_wait3A_170 = arith.constant 0 : i32
          %dma_wait3A_171 = tpu.memref_slice %arg7[%dma_wait3A_169, %dma_wait3A_170] : memref<384x256xf32, #tpu.memory_space<vmem>> -> memref<128x256xf32, #tpu.memory_space<vmem>>
          %dma_wait3A_172 = arith.constant 0 : i32
          %dma_wait3A_173 = tpu.memref_slice %arg4[%multiple_of3A_158, %dma_wait3A_172] : memref<65536x256xf32, #tpu.memory_space<hbm>> -> memref<128x256xf32, #tpu.memory_space<hbm>>
          %dma_wait3A_174 = arith.constant 0 : i32
          %dma_wait3A_175 = tpu.memref_slice %arg4[%multiple_of3A_158, %dma_wait3A_174] : memref<65536x256xf32, #tpu.memory_space<hbm>> -> memref<128x256xf32, #tpu.memory_space<hbm>>
          %dma_wait3A_176 = arith.constant 0 : i32
          %dma_wait3A_177 = arith.constant 0 : i32
          %dma_wait3A_178 = tpu.memref_slice %arg7[%dma_wait3A_176, %dma_wait3A_177] : memref<384x256xf32, #tpu.memory_space<vmem>> -> memref<128x256xf32, #tpu.memory_space<vmem>>
          tpu.wait_dma2 semaphore(%arg9 : memref<!tpu.dma_semaphore, #tpu.memory_space<semaphore_mem>>) src(%dma_wait3A_178 : memref<128x256xf32, #tpu.memory_space<vmem>>) dst(%dma_wait3A_175 : memref<128x256xf32, #tpu.memory_space<hbm>>)
        }
      } else {
      }
    } else {
    }
    return
  }
}

</mosaic_0001>

<sc_bundles>
// kernel: kernel.3.cloned.1.call-start
scs
__scs_entry_jumppad:
0x0: {  	(pc) =	sbr.rel $0x88, $3  }
0x1: {  	(tag) =	ssettag $0x0;
	lr =	simm.s32 $0x1  }
0x2: {  	[smem:$0x3F9F] =	sst lr;
	_ =	strace $0xD0000000  }
0x3: {  	_ = 	snop  }
0x4: {  	_ = 	snop  }
0x5: {  	_ = 	snop  }
0x6: {  	_ = 	snop  }
0x7: {  	_ = 	snop  }
__scs_overlays_trampoline_lowered:
0x8: {  	[smem:$0x3FAE] =	sst s0  }
0x9: {  	[smem:$0x3FAF] =	sst s1  }
0xa: {  	[smem:$0x3FB0] =	sst s2  }
0xb: {  	[smem:$0x3FB1] =	sst s3  }
0xc: {  	[smem:$0x3FB2] =	sst s4  }
0xd: {  	[smem:$0x3FB3] =	sst s5  }
0xe: {  	[smem:$0x3FB4] =	sst s6  }
0xf: {  	[smem:$0x3FB5] =	sst s7  }
0x10: {  	[smem:$0x3FB6] =	sst s8  }
0x11: {  	[smem:$0x3FB7] =	sst s9;
	s0 =	simm.s32 @!p0 $0x0  }
0x12: {  	s1 =	sld [smem:$0x3F9D];
	s0 =	simm.s32 @p0 $0x1  }
0x13: {  	[smem:$0x3FB8] =	sst s0;
	s0 =	simm.s32 @!p1 $0x0  }
0x14: {  	s2 =	sld [smem:$0x3F9C];
	s0 =	simm.s32 @p1 $0x1  }
0x15: {  	[smem:$0x3FB9] =	sst s0;
	s0 =	simm.s32 @!p2 $0x0  }
0x16: {  	s3 =	sld [smem:$0x3FDB];
	s0 =	simm.s32 @p2 $0x1  }
0x17: {  	s4 =	simm.s32 $0x1BF5;
	[smem:$0x3FBB] =	sst s0  }
0x18: {  	s0 =	sld [smem:$0x3F9E];
	_ =	swait.ge [sflag:s4], $0x0  }
0x19: {  	s7 =	sld [smem:$0x3F9F]  }
0x1a: {  	s8 =	sadd.s32 $0xFFFFE003, lr  }
0x1b: {  	s9 =	sadd.s32 $0xFFFFFEF7, lr;
	s5 =	simm.s32 $0xFFFFFFFF;
	p2 =	slt.u32 s8, $0xFFFFF086  }
0x1c: {  	p1 =	slt.u32 s9, $0xF7A;
	s5 =	simm.s32 @!p2 $0x0  }
0x1d: {  	s5 =	simm.s32 @p1 $0x1;
	p0 =	seq.s32 s7, s2  }
0x1e: {  	s7 =	smul.u32 @!p0 $0xF7A, s2;
	p2 =	seq.s32 @!p0 s5, $0x0  }
0x1f: {  	s9 =	smul.u32 $0xF7A, s1;
	s8 =	simm.s32 @!p0 $0x1BF5;
	p2 =	por !p2, p0  }
0x20: {  	[sflag:s8] =	ssyncset.s32 @!p0 $0xFFFFF086;
	s6 =	sadd.s32 @!p0 s3, s7;
	s7 =	simm.s32 @!p0 $0x108  }
0x21: {  	s3 =	sadd.s32 s3, s9;
	s6 =	sadd.s32 @!p0 $0x88, s6;
	s7 =	simm.s32 @p2 $0x1082  }
0x22: {  	[simem:s7], [sflag:s8] =	dma.local @!p0 [hbm:s6], $0xF7A  }
0x23: {  	s9 =	sor.u32 $0xD0000000, s2;
	s6 =	simm.s32 $0x108;
	_ =	swait.ge @!p0 [sflag:s8], $0x0  }
0x24: {  	s3 =	sadd.s32 $0x88, s3;
	s6 =	simm.s32 @!p1 $0x1082;
	[sflag:s4] =	ssyncset.s32 $0xFFFFF086  }
0x25: {  	[simem:s6], [sflag:s4] =	dma.local [hbm:s3], $0xF7A  }
0x26: {  	[smem:$0x3F9F] =	sst s1;
	(tag) =	ssettag s2;
	_ =	strace s9  }
0x27: {  	s1 =	sld [smem:$0x3FAF]  }
0x28: {  	s2 =	sld [smem:$0x3FB0]  }
0x29: {  	s4 =	sld [smem:$0x3FB2]  }
0x2a: {  	p0 =	seq.s32 s5, $0x0;
	s5 =	sld [smem:$0x3FB3]  }
0x2b: {  	s6 =	sld [smem:$0x3FB4]  }
0x2c: {  	s7 =	sld [smem:$0x3FB5]  }
0x2d: {  	s3 =	simm.s32 $0x108;
	s8 =	sld [smem:$0x3FB6]  }
0x2e: {  	s3 =	simm.s32 @!p0 $0x1082;
	s9 =	sld [smem:$0x3FB7]  }
0x2f: {  	lr =	sadd.s32 s0, s3;
	s0 =	sld [smem:$0x3FAE]  }
0x30: {  	s3 =	sld [smem:$0x3FB1]  }
0x31: {  	[smem:$0x3FBA] =	sst s10  }
0x32: {  	s10 =	sld [smem:$0x3FB8];
	_ =	sdelay $0x3  }
0x33: {  	p0 =	seq.s32 s10, $0x1;
	s10 =	sld [smem:$0x3FBA];
	_ =	sdelay $0x3  }
0x34: {  	[smem:$0x3FBA] =	sst s10  }
0x35: {  	s10 =	sld [smem:$0x3FB9];
	_ =	sdelay $0x3  }
0x36: {  	p1 =	seq.s32 s10, $0x1;
	s10 =	sld [smem:$0x3FBA];
	_ =	sdelay $0x3  }
0x37: {  	[smem:$0x3FBA] =	sst s10  }
0x38: {  	s10 =	sld [smem:$0x3FBB]  }
0x39: {  	_ = 	snop;
	(pc) =	sbr.ind lr, $3  }
0x3a: {  	_ = 	snop  }
0x3b: {  	_ = 	snop  }
0x3c: {  	p2 =	seq.s32 s10, $0x1;
	s10 =	sld [smem:$0x3FBA]  }
0x3d: {  	_ =	shalt  }
0x3e: {  	_ =	shalt  }
0x3f: {  	_ =	shalt  }
0x40: {  	_ =	shalt  }
0x41: {  	_ =	shalt  }
0x42: {  	_ =	shalt  }
0x43: {  	_ =	shalt  }
0x44: {  	_ =	shalt  }
0x45: {  	_ =	shalt  }
0x46: {  	_ =	shalt  }
0x47: {  	_ =	shalt  }
0x48: {  	_ =	shalt  }
0x49: {  	_ =	shalt  }
0x4a: {  	_ =	shalt  }
0x4b: {  	_ =	shalt  }
0x4c: {  	_ =	shalt  }
0x4d: {  	_ =	shalt  }
0x4e: {  	_ =	shalt  }
0x4f: {  	_ =	shalt  }
0x50: {  	_ =	shalt  }
0x51: {  	_ =	shalt  }
0x52: {  	_ =	shalt  }
0x53: {  	_ =	shalt  }
0x54: {  	_ =	shalt  }
0x55: {  	_ =	shalt  }
0x56: {  	_ =	shalt  }
0x57: {  	_ =	shalt  }
0x58: {  	_ =	shalt  }
0x59: {  	_ =	shalt  }
0x5a: {  	_ =	shalt  }
0x5b: {  	_ =	shalt  }
0x5c: {  	_ =	shalt  }
0x5d: {  	_ =	shalt  }
0x5e: {  	_ =	shalt  }
0x5f: {  	_ =	shalt  }
0x60: {  	_ =	shalt  }
0x61: {  	_ =	shalt  }
0x62: {  	_ =	shalt  }
0x63: {  	_ =	shalt  }
0x64: {  	_ =	shalt  }
0x65: {  	_ =	shalt  }
0x66: {  	_ =	shalt  }
0x67: {  	_ =	shalt  }
0x68: {  	_ =	shalt  }
0x69: {  	_ =	shalt  }
0x6a: {  	_ =	shalt  }
0x6b: {  	_ =	shalt  }
0x6c: {  	_ =	shalt  }
0x6d: {  	_ =	shalt  }
0x6e: {  	_ =	shalt  }
0x6f: {  	_ =	shalt  }
0x70: {  	_ =	shalt  }
0x71: {  	_ =	shalt  }
0x72: {  	_ =	shalt  }
0x73: {  	_ =	shalt  }
0x74: {  	_ =	shalt  }
0x75: {  	_ =	shalt  }
0x76: {  	_ =	shalt  }
0x77: {  	_ =	shalt  }
0x78: {  	_ =	shalt  }
0x79: {  	_ =	shalt  }
0x7a: {  	_ =	shalt  }
0x7b: {  	_ =	shalt  }
0x7c: {  	_ =	shalt  }
0x7d: {  	_ =	shalt  }
0x7e: {  	_ =	shalt  }
0x7f: {  	_ =	shalt  }
0x80: {  	_ =	shalt  }
0x81: {  	_ =	shalt  }
0x82: {  	_ =	shalt  }
0x83: {  	_ =	shalt  }
0x84: {  	_ =	shalt  }
0x85: {  	_ =	shalt  }
0x86: {  	_ =	shalt  }
0x87: {  	_ =	shalt  }
.Lfunc_end0:
.L_simem_size_0:
called_computation_lowered:
.L_overlay_start_0:
0x88: {  	s2 =	sld [smem:$0x3FD9]  }
0x89: {  	s3 =	sld [smem:$0x3FFE];
	_ =	sdelay $0x1  }
0x8a: {  	s1 =	srdreg.scid  }
0x8b: {  	s0 =	sand.u32 $0x1, s1  }
0x8c: {  	s17 =	sshll.u32 s0, $0xA;
	s2 =	sadd.s32 s3, s2  }
0x8d: {  	s2 =	sadd.s32 s2, s17  }
0x8e: {  	[smem:$0x3FC6] =	sst s2  }
0x8f: {  	_ = 	snop  }
0x90: {  	s2 =	sld [smem:$0x3FC9]  }
0x91: {  	s18 =	sld [smem:$0x3FD0];
	(tm) =	ssettm $0x1  }
0x92: {  	s4 =	sld [smem:$0x3FFB];
	_ =	sdelay $0x3  }
0x93: {  	_ =	strace s4  }
0x94: {  	s4 =	sld [smem:$0x3FFC];
	_ =	sdelay $0x3  }
0x95: {  	_ =	strace s4  }
0x96: {  	s4 =	sld [smem:$0x3FFD];
	_ =	sdelay $0x3  }
0x97: {  	_ =	strace s4  }
0x98: {  	_ =	strace $0x8FFFFFFF  }
0x99: {  	s19 =	sld [smem:$0x3FDB];
	_ =	sdelay $0x1  }
0x9a: {  	s5 =	simm.s32 $_scs_section_size  }
0x9b: {  	s6 =	simm.s32 $_size__tile_overlayer_lowered;
	s7 =	simm.s32 $_tile_overlayer_lowered  }
0x9c: {  	s22 =	simm.s32 $0x1BFF;
	s21 =	sshll.u32 s7, $0x1;
	s4 =	sadd.s32 s5, s19  }
0x9d: {  	s8 =	simm.s32 $0x0;
	s20 =	sshll.u32 s6, $0x1;
	s6 =	sadd.s32 s21, s4  }
0x9e: {  	[timem:s8], [sflag:s22] =	dma.local [hbm:s6], s20  }
0x9f: {  	_ =	swait.ge [sflag:s22], s20  }
0xa0: {  	s5 =	ssub.s32 $0x0, s20;
	[sflag:s22] =	ssyncset.done $0x0  }
0xa1: {  	[sflag:s22] =	ssyncadd.s32 s5;
	_ =	sdelay $0x1  }
0xa2: {  	s23 =	simm.s32 $0x1B8B  }
0xa3: {  	_ =	swait.ge [sflag:s23], $0x1  }
0xa4: {  	[sflag:s23] =	ssyncset.done $0x0  }
0xa5: {  	s25 =	simm.s32 $0x1B8E;
	s24 =	sld [smem:$0x3FFE];
	[sflag:s23] =	ssyncadd.s32 $0xFFFFFFFF  }
0xa6: {  	s26 =	simm.s32 $execute0_lowered;
	[smem:$0x3FD2] =	sst s25  }
0xa7: {  	s6 =	sshll.u32 s26, $0x1;
	_ =	strace $0x80000046;
	[dreg:$0x1] =	wrdreg $0xFFFFFFFF  }
0xa8: {  	s28 =	simm.s32 $_size_execute0_lowered;
	s4 =	sadd.s32 s4, s6;
	[dreg:$0x0] =	wrdreg $0x0  }
0xa9: {  	s6 =	sshll.u32 s28, $0x1;
	[dreg:$0x2] =	wrdreg s4  }
0xaa: {  	[dreg:$0x3] =	wrdreg s6  }
0xab: {  	[dreg:$0x4] =	wrdreg $0xC0  }
0xac: {  	_ =	task [dreg:s8], $0x5FFFF  }
0xad: {  	[dreg:$0x1] =	wrdreg $0xFFFFFFFF  }
0xae: {  	[dreg:$0x0] =	wrdreg $0x60  }
0xaf: {  	[dreg:$0x2] =	wrdreg s2  }
0xb0: {  	[dreg:$0x3] =	wrdreg s24  }
0xb1: {  	[dreg:$0x4] =	wrdreg s18  }
0xb2: {  	[dreg:$0x5] =	wrdreg $0x9  }
0xb3: {  	_ =	task.clear_ibuf [dreg:s8], $0x6FFFF;
	_ =	strace $0x90000046  }
0xb4: {  	s29 =	simm.s32 $0x9;
	_ =	strace $0x80000048  }
0xb5: {  	_ =	swait.ge [sflag:s29], $0x1  }
0xb6: {  	[sflag:s29] =	ssyncadd.s32 $0xFFFFFFFF  }
0xb7: {  	_ =	strace $0x90000048  }
0xb8: {  	_ =	sfence  }
0xb9: {  	s30 =	sld [smem:$0x0];
	_ =	sdelay $0x2  }
0xba: {  	s31 =	sshll.u32 s1, $0xD;
	s1 =	sshrl.u32 s1, $0x2  }
0xbb: {  	s3 =	sand.u32 $0x4000, s31;
	s1 =	sadd.s32 s1, s30  }
0xbc: {  	s0 =	sor.u32 s3, s0;
	s1 =	sshll.u32 s1, $0x11  }
0xbd: {  	s0 =	sor.u32 s1, s0  }
0xbe: {  	s0 =	sadd.s32 $0x8F2B, s0  }
0xbf: {  	[sflag:s0] =	ssyncadd.remote.s32 $0x1  }
0xc0: {  	_ =	sfence.sel $0xFFFF  }
0xc1: {  	[dreg:$0x0] =	wrdreg $0xFFFFFFFF;
	(pc) =	sbr.abs _section_cstart, $3  }
0xc2: {  	[dreg:$0x1] =	wrdreg $0xFFFFFFFF  }
0xc3: {  	_ =	task.clear_ibuf [dreg:s8], $0x2FFFF;
	_ =	strace $0x9FFFFFFF  }
0xc4: {  	(tm) =	ssettm $0x7FFFFFFF  }
0xc5: {  	_ =	shalt  }
tec
execute0_lowered:
.L_overlay_start_1:
0x0: {  	(tag) =	ssettag $0x1  }
0x1: {  	s1 =	rddreg [dreg:$0x0]  }
0x2: {  	s0 =	rddreg [dreg:$0x1]  }
0x3: {  	s3 =	rddreg [dreg:$0x2]  }
0x4: {  	s2 =	srdreg.scid;
	s10 =	stileid.u32;
	s4 =	simm.s32 $0x0  }
0x5: {  	s16 =	simm.s32 $0x1;
	s17 =	simm.s32 $0x3;
	s18 =	simm.s32 $0x4800  }
0x6: {  	s2 =	sand.u32 $0x1, s2;
	s5 =	sshll.u32 s10, $0xC;
	[smem:$0x7FF] =	sst s4  }
0x7: {  	s23 =	sshll.u32 s10, $0x11;
	s24 =	sshll.u32 s10, $0x14;
	s6 =	sshll.u32 s2, $0xB  }
0x8: {  	s7 =	ssub.s32 $0x2, s2;
	_ =	strace $0x80000047;
	s25 =	sshll.u32 s2, $0x13  }
0x9: {  	s2 =	sshll.u32 s2, $0x10;
	s26 =	sadd.s32 s23, s1;
	s8 =	sshrl.u32 s7, $0x1  }
0xa: {  	s28 =	sadd.s32 s2, s26;
	s21 =	ssub.s32 s7, s8;
	s8 =	sor.u32 s25, s24  }
0xb: {  	s5 =	sor.u32 s6, s5;
	s29 =	sadd.s32 $0x2000, s28;
	[dreg:$0x7] =	wrdreg s8  }
0xc: {  	s9 =	sshll.u32 s5, $0x5;
	s31 =	ssub.s32 $0x0, s5;
	[dreg:$0x9] =	wrdreg s29  }
0xd: {  	s20 =	simm.s32 $0x2;
	s22 =	sadd.s32 s1, s9;
	[dreg:$0xb] =	wrdreg s31  }
0xe: {  	s6 =	sadd.s32 $0x400, s0;
	s0 =	smax.u32 s21, $0x1;
	[dreg:$0x4] =	wrdreg s22  }
.Ltmp0:
0xf: {  	s9 =	sadd.s32 $0x800, s5;
	[dreg:$0x6] =	wrdreg s0;
	(pc) =	sbr.rel .LBB2_1-.Ltmp0, $4  }
0x10: {  	s8 =	sshrl.u32 s8, $0x3;
	s7 =	sadd.s32 $0x1000, s22;
	[dreg:$0xd] =	wrdreg s9  }
0x11: {  	v0 =	vlaneseq.u32;
	v1 =	vimm.s32 $0x0;
	s0 =	sadd.s32 s23, s3;
	s30 =	sadd.s32 s8, s3;
	[dreg:$0x5] =	wrdreg s7  }
0x12: {  	vm0 =	vmmov $0xffff;
	v5 =	vimm.f32 $0.0e+00;
	v3 =	vshrl.u32 v0, $0x3;
	s21 =	simm.s32 $0x4;
	s0 =	sadd.s32 s2, s0;
	[dreg:$0xa] =	wrdreg s30  }
0x13: {  	v2 =	vand.u32 $0x7, v0;
	v4 =	vor.u32 $0x8, v0;
	v3 =	vmul.u32 $0x8, v3;
	s22 =	simm.s32 $0x4000;
	s8 =	simm.s32 $0x0;
	[dreg:$0x8] =	wrdreg s0  }
.LBB2_32:
0x14: {  	[sflag:s20] =	ssyncset.done $0x0  }
0x15: {  	[sflag:s20] =	ssyncadd.s32 $0xFFFF8000  }
.LBB2_33:
0x16: {  	s8 =	sadd.s32 $0x1, s8;
	s0 =	rddreg [dreg:$0x6]  }
0x17: {  	p0 =	sne.s32 s8, s0  }
.Ltmp1:
0x18: {  	_ = 	snop;
	(pc) =	sbr.rel @!p0 .LBB2_34-.Ltmp1, $1  }
0x19: {  	_ =	sdelay $0x3  }
.LBB2_1:
0x1a: {  	[tilespmem:s4], [sflag:$0x3] =	stream.linear.gather [hbm4b:s6+s4], $0x2000, $0x38;
	[tilespmem:$0x1C800] =	vst v63  }
0x1b: {  	p0 =	por $0x0, $0x0;
	s12 =	simm.s32 $0x0;
	s23 =	simm.s32 $0x0  }
.LBB2_2:
0x1c: {  	s0 =	simm.s32 $0x1  }
0x1d: {  	s0 =	simm.s32 @!p0 $0x0  }
0x1e: {  	s0 =	sshll.u32 s0, $0xD  }
0x1f: {  	s0 =	sor.u32 $0x40, s0  }
0x20: {  	s7 =	smov.u32 s23;
	_ =	swait.ge [sflag:s17], $0x2000;
	s23 =	sadd.s32 $0x1, s23;
	v6 =	vmov s0  }
0x21: {  	s31 =	simm.s32 $0x0;
	[sflag:s17] =	ssyncset.done $0x0;
	p1 =	seq.s32 s7, $0x7  }
0x22: {  	[sflag:s17] =	ssyncadd.s32 $0xFFFFE000;
	s7 =	sshll.u32 @!p1 s23, $0xA;
	s0 =	sshll.u32 @!p1 s23, $0xD  }
0x23: {  	s13 =	simm.s32 @!p1 $0x0;
	s7 =	sadd.s32 @!p1 s6, s7;
	s0 =	sand.u32 @!p1 $0x2000, s0  }
0x24: {  	[tilespmem:s0], [sflag:$0x3] =	stream.linear.gather @!p1 [hbm4b:s7+s13], $0x2000, $0x38;
	[tilespmem:$0x1C800] =	vst v63  }
0x25: {  	v7 =	vld.idx.msk [tilespmem:v6+s31+$0x30 ss:$0x1], $0xffff  }
0x26: {  	v10 =	vld.idx.msk [tilespmem:v6+s31+$0xFFFFFFC0 ss:$0x1], $0xffff  }
0x27: {  	v19 =	vld.idx.msk [tilespmem:v6+s31+$0xFFFFFFD0 ss:$0x1], $0xffff  }
0x28: {  	v16 =	vld.idx.msk [tilespmem:v6+s31+$0xFFFFFFE0 ss:$0x1], $0xffff  }
0x29: {  	v12 =	vld.idx.msk [tilespmem:v6+s31+$0xFFFFFFF0 ss:$0x1], $0xffff  }
0x2a: {  	v11 =	vimm.s32 $0x0;
	v20 =	vimm.s32 $0x0;
	v9 =	vld.idx.msk [tilespmem:v6+s31+$0x0 ss:$0x1], $0xffff  }
0x2b: {  	v14 =	vimm.s32 $0x0;
	v17 =	vimm.s32 $0x0;
	v13 =	vimm.s32 $0x0;
	v8 =	vld.idx.msk [tilespmem:v6+s31+$0x10 ss:$0x1], $0xffff  }
0x2c: {  	s7 =	smov.u32 s12;
	s12 =	simm.s32 $0x80;
	s13 =	simm.s32 $0x400;
	v15 =	vld.idx.msk [tilespmem:v6+s31+$0x20 ss:$0x1], $0xffff;
	v7 =	vadd.s32 v11, v7;
	v18 =	vadd.s32 v11, v10;
	v10 =	vimm.s32 $0x0  }
.LBB2_3:
0x2d: {  	p1 =	sne.s32 s13, $0x7E00;
	v21 =	vld.idx.msk [tilespmem:v6+s12+$0x30 ss:$0x1], $0xffff;
	v11 =	vadd.s32 v11, v19  }
0x2e: {  	v20 =	vadd.s32 v20, v16;
	v22 =	vld.idx.msk [tilespmem:v6+s12+$0xFFFFFFC0 ss:$0x1], $0xffff  }
0x2f: {  	v14 =	vadd.s32 v14, v12;
	v19 =	vld.idx.msk [tilespmem:v6+s12+$0xFFFFFFD0 ss:$0x1], $0xffff  }
.Ltmp2:
0x30: {  	v17 =	vadd.s32 v17, v9;
	v16 =	vld.idx.msk [tilespmem:v6+s12+$0xFFFFFFE0 ss:$0x1], $0xffff;
	(pc) =	sbr.rel @p1 .LBB2_3-.Ltmp2, $4  }
0x31: {  	v13 =	vadd.s32 v13, v8;
	v12 =	vld.idx.msk [tilespmem:v6+s12+$0xFFFFFFF0 ss:$0x1], $0xffff  }
0x32: {  	v10 =	vadd.s32 v10, v15;
	v9 =	vld.idx.msk [tilespmem:v6+s12+$0x0 ss:$0x1], $0xffff  }
0x33: {  	v7 =	vadd.s32 v7, v21;
	v8 =	vld.idx.msk [tilespmem:v6+s12+$0x10 ss:$0x1], $0xffff  }
0x34: {  	v18 =	vadd.s32 v18, v22;
	v15 =	vld.idx.msk [tilespmem:v6+s12+$0x20 ss:$0x1], $0xffff;
	s12 =	sshra.s32 s13, $0x2;
	s13 =	sadd.s32 $0x200, s13  }
0x35: {  	_ =	sdelay $0x3  }
0x36: {  	v21 =	vld.idx.msk [tilespmem:v6+s12+$0xFFFFFFC0 ss:$0x1], $0xffff  }
0x37: {  	v22 =	vld.idx.msk [tilespmem:v6+s12+$0xFFFFFFD0 ss:$0x1], $0xffff  }
0x38: {  	v23 =	vld.idx.msk [tilespmem:v6+s12+$0xFFFFFFE0 ss:$0x1], $0xffff  }
0x39: {  	v24 =	vld.idx.msk [tilespmem:v6+s12+$0xFFFFFFF0 ss:$0x1], $0xffff  }
0x3a: {  	v25 =	vld.idx.msk [tilespmem:v6+s12+$0x0 ss:$0x1], $0xffff  }
0x3b: {  	v11 =	vadd.s32 v11, v19;
	v61 =	vld.idx.msk [tilespmem:v6+s12+$0x10 ss:$0x1], $0xffff  }
0x3c: {  	v16 =	vadd.s32 v20, v16;
	v62 =	vld.idx.msk [tilespmem:v6+s12+$0x20 ss:$0x1], $0xffff;
	v18 =	vadd.s32 v18, v21;
	v11 =	vadd.s32 v11, v22  }
0x3d: {  	v6 =	vld.idx.msk [tilespmem:v6+s12+$0x30 ss:$0x1], $0xffff;
	v12 =	vadd.s32 v14, v12;
	v63 =	vadd.s32 v16, v23;
	v11 =	vadd.s32 v18, v11  }
0x3e: {  	v9 =	vadd.s32 v17, v9;
	v12 =	vadd.s32 v12, v24;
	v11 =	vadd.s32 v63, v11  }
0x3f: {  	v8 =	vadd.s32 v13, v8;
	v9 =	vadd.s32 v9, v25;
	v11 =	vadd.s32 v12, v11  }
0x40: {  	v10 =	vadd.s32 v10, v15;
	v8 =	vadd.s32 v8, v61;
	v9 =	vadd.s32 v9, v11  }
0x41: {  	v10 =	vadd.s32 v10, v62;
	v8 =	vadd.s32 v8, v9  }
0x42: {  	v6 =	vadd.s32 v7, v6;
	v7 =	vadd.s32 v10, v8  }
0x43: {  	v6 =	vadd.s32 v6, v7  }
0x44: {  	(xrf0) =	vadd.scan.msk.s32 $0xffff, v6;
	_ =	sdelay $0x5  }
0x45: {  	v6, _, _ =	vpop (xrf0)  }
0x46: {  	(v2sf) =	vpush v6, $0xF;
	_ =	sdelay $0xa  }
0x47: {  	p1 =	sne.s32 s23, $0x8  }
.Ltmp3:
0x48: {  	_ = 	snop;
	(pc) =	sbr.rel @p1 .LBB2_2-.Ltmp3, $3  }
0x49: {  	_ =	sdelay $0x1  }
0x4a: {  	s13 =	spop (v2sf)  }
0x4b: {  	p0 =	por !p0, !p0;
	s12 =	sadd.s32 s7, s13  }
0x4c: {  	s0 =	rddreg [dreg:$0x4];
	s26 =	simm.s32 $0x0  }
0x4d: {  	[tilespmem:s18], [sflag:$0x1] =	stream.linear.gather [hbm4b:s0+s4], $0x8000, $0x38;
	[tilespmem:$0x1C800] =	vst v63  }
0x4e: {  	s23 =	simm.s32 $0x2;
	p0 =	por $0x0, $0x0;
	s0 =	smul.u32 $0xAB, s26  }
0x4f: {  	s2 =	rddreg [dreg:$0x5];
	s24 =	simm.s32 $0x1;
	s25 =	smul.u32 @!p0 $0xAB, s23  }
0x50: {  	s15 =	simm.s32 $0xC800;
	s26 =	smul.u32 $0xAB, s24;
	p1 =	por @!p0 $0x1, $0x1  }
0x51: {  	[tilespmem:s15], [sflag:$0x1] =	stream.linear.gather [hbm4b:s2+s4], $0x8000, $0x38;
	[tilespmem:$0x1C800] =	vst v63  }
0x52: {  	p1 =	por p1, p0;
	s0 =	sshrl.u32 s0, $0x9  }
0x53: {  	s25 =	sshrl.u32 @!p0 s25, $0x9;
	s26 =	sshrl.u32 s26, $0x9;
	s0 =	sand.u32 $0x7F, s0  }
0x54: {  	_ =	swait.ge [sflag:s16], $0x8000;
	s25 =	sand.u32 @!p0 $0x7F, s25;
	s0 =	smul.u32 $0x3, s0  }
0x55: {  	s26 =	sand.u32 $0x7F, s26;
	[sflag:s16] =	ssyncset.done $0x0;
	s25 =	smul.u32 @!p0 $0x3, s25  }
0x56: {  	s28 =	simm.s32 @!p1 $0x2;
	s26 =	smul.u32 $0x3, s26;
	[sflag:s16] =	ssyncadd.s32 $0xFFFF8000  }
0x57: {  	s23 =	simm.s32 $0x3;
	s0 =	ssub.s32 $0x0, s0;
	_ =	swait.ge @!p1 [sflag:s28], $0x8000  }
0x58: {  	s25 =	ssub.s32 @!p0 $0x2, s25;
	s26 =	ssub.s32 $0x1, s26;
	s0 =	sand.u32 $0xFF, s0  }
0x59: {  	[sflag:s28] =	ssyncset.done @!p1 $0x0;
	s25 =	sand.u32 @!p0 $0xFF, s25;
	s2 =	rddreg [dreg:$0x9]  }
0x5a: {  	s26 =	sand.u32 $0xFF, s26;
	s29 =	rddreg [dreg:$0x8];
	[sflag:s28] =	ssyncadd.s32 @!p1 $0xFFFF8000  }
0x5b: {  	s25 =	sshll.u32 @!p0 s25, $0xF;
	s28 =	simm.s32 @!p0 $0x0;
	s0 =	sshll.u32 s0, $0xF  }
0x5c: {  	s30 =	sshll.u32 s26, $0xF;
	s26 =	sadd.s32 $0x1000, s2;
	s25 =	sor.u32 @!p0 $0x4800, s25  }
0x5d: {  	[tilespmem:s25], [sflag:$0x1] =	stream.linear.gather @!p0 [hbm4b:s2+s28], $0x8000, $0x38;
	[tilespmem:$0x1C800] =	vst v63  }
0x5e: {  	s31 =	sor.u32 $0x4800, s0;
	s28 =	simm.s32 $0x4;
	s25 =	sadd.s32 $0x1000, s29  }
.LBB2_6:
0x5f: {  	[hbm4b:s29+s4] =	stream.linear.scatter [tilespmem:s31], [sflag:$0x2], $0x8000, $0x38;
	[tilespmem:$0x1C800] =	vst v63  }
0x60: {  	s0 =	smov.u32 s28;
	s31 =	smov.u32 s30;
	s29 =	smov.u32 s25  }
0x61: {  	p0 =	sgt.u32 s24, $0xD;
	s24 =	sadd.s32 $0xFFFFFFFE, s28;
	_ =	swait.ge [sflag:s16], $0x8000  }
0x62: {  	p1 =	seq.s32 @!p0 s23, $0x2;
	s30 =	smul.u32 @!p0 $0xAB, s23;
	[sflag:s16] =	ssyncset.done $0x0  }
0x63: {  	s2 =	smul.u32 $0xAB, s24;
	p2 =	por p1, p0;
	[sflag:s16] =	ssyncadd.s32 $0xFFFF8000  }
0x64: {  	s28 =	sadd.s32 $0x1, s28;
	s15 =	simm.s32 @!p2 $0x2;
	s30 =	sshrl.u32 @!p0 s30, $0x9  }
0x65: {  	s2 =	sshrl.u32 s2, $0x9;
	s30 =	sand.u32 @!p0 $0x7F, s30;
	_ =	swait.ge @!p2 [sflag:s15], $0x8000  }
0x66: {  	s2 =	sand.u32 $0x7F, s2;
	s30 =	smul.u32 @!p0 $0x3, s30;
	[sflag:s15] =	ssyncset.done @!p2 $0x0  }
0x67: {  	p1 =	sne.s32 s28, $0x12;
	s2 =	smul.u32 $0x3, s2;
	[sflag:s15] =	ssyncadd.s32 @!p2 $0xFFFF8000  }
0x68: {  	s15 =	ssub.s32 @!p0 s23, s30;
	s23 =	smov.u32 s0  }
.Ltmp4:
0x69: {  	s0 =	ssub.s32 s24, s2;
	s2 =	sand.u32 @!p0 $0xFF, s15;
	(pc) =	sbr.rel @p1 .LBB2_6-.Ltmp4, $4  }
0x6a: {  	s0 =	sand.u32 $0xFF, s0;
	s2 =	sshll.u32 @!p0 s2, $0xF  }
0x6b: {  	s30 =	sshll.u32 s0, $0xF;
	s0 =	sor.u32 @!p0 $0x4800, s2;
	s2 =	simm.s32 @!p0 $0x0  }
0x6c: {  	[tilespmem:s0], [sflag:$0x1] =	stream.linear.gather @!p0 [hbm4b:s26+s2], $0x8000, $0x38;
	[tilespmem:$0x1C800] =	vst v63  }
0x6d: {  	s25 =	sadd.s32 $0x1000, s25;
	s31 =	sor.u32 $0x4800, s31;
	s26 =	sadd.s32 $0x1000, s26  }
0x6e: {  	p0 =	sgt.u32 s24, $0xD  }
0x6f: {  	s0 =	smul.u32 @!p0 $0xAB, s23  }
0x70: {  	[hbm4b:s29+s4] =	stream.linear.scatter [tilespmem:s31], [sflag:$0x2], $0x8000, $0x38;
	[tilespmem:$0x1C800] =	vst v63  }
0x71: {  	s0 =	sshrl.u32 @!p0 s0, $0x9  }
0x72: {  	s0 =	sand.u32 @!p0 $0x7F, s0  }
0x73: {  	_ =	swait.ge [sflag:s16], $0x8000;
	p1 =	seq.s32 @!p0 s23, $0x2;
	s0 =	smul.u32 @!p0 $0x3, s0  }
0x74: {  	[sflag:s16] =	ssyncset.done $0x0;
	p1 =	por p1, p0  }
0x75: {  	[sflag:s16] =	ssyncadd.s32 $0xFFFF8000;
	s2 =	simm.s32 @!p1 $0x2;
	s0 =	ssub.s32 @!p0 s23, s0  }
0x76: {  	_ =	swait.ge @!p1 [sflag:s2], $0x8000;
	s0 =	sand.u32 @!p0 $0xFF, s0  }
0x77: {  	[sflag:s2] =	ssyncset.done @!p1 $0x0;
	s0 =	sshll.u32 @!p0 s0, $0xF  }
0x78: {  	[sflag:s2] =	ssyncadd.s32 @!p1 $0xFFFF8000;
	s2 =	simm.s32 @!p0 $0x0;
	s0 =	sor.u32 @!p0 $0x4800, s0  }
0x79: {  	[tilespmem:s0], [sflag:$0x1] =	stream.linear.gather @!p0 [hbm4b:s26+s2], $0x8000, $0x38;
	[tilespmem:$0x1C800] =	vst v63  }
0x7a: {  	s31 =	sor.u32 $0x4800, s30  }
0x7b: {  	[hbm4b:s25+s4] =	stream.linear.scatter [tilespmem:s31], [sflag:$0x2], $0x8000, $0x38;
	[tilespmem:$0x1C800] =	vst v63  }
0x7c: {  	_ =	swait.ge [sflag:s20], $0x8000  }
0x7d: {  	[sflag:s20] =	ssyncset.done $0x0  }
0x7e: {  	[sflag:s20] =	ssyncadd.s32 $0xFFFF8000  }
0x7f: {  	p0 =	slt.s32 s12, $0x10000;
	_ =	swait.ge [sflag:s20], $0x8000  }
.Ltmp5:
0x80: {  	[sflag:s20] =	ssyncset.done $0x0;
	(pc) =	sbr.rel @!p0 .LBB2_33-.Ltmp5, $4  }
0x81: {  	[sflag:s20] =	ssyncadd.s32 $0xFFFF8000  }
0x82: {  	_ =	swait.ge [sflag:s20], $0x8000  }
0x83: {  	[sflag:s20] =	ssyncset.done $0x0  }
0x84: {  	[sflag:s20] =	ssyncadd.s32 $0xFFFF8000  }
0x85: {  	s23 =	ssub.s32 s12, s5  }
0x86: {  	p0 =	sgt.s32 s23, $0x0;
	s0 =	smov.u32 s23  }
0x87: {  	s0 =	simm.s32 @!p0 $0x0  }
0x88: {  	s12 =	simm.s32 $0x40;
	s10 =	smin.u32 s0, $0x800;
	s0 =	simm.s32 $0x0  }
.LBB2_9:
0x89: {  	p0 =	seq.s32 s12, $0x1FC0;
	[tilespmem:s0+$0x4000] =	vst v1;
	s0 =	smov.u32 s12;
	s12 =	sadd.s32 $0x40, s12  }
.Ltmp6:
0x8a: {  	(pc) =	sbr.rel @!p0 .LBB2_9-.Ltmp6, $2  }
0x8b: {  	_ =	sdelay $0x2  }
0x8c: {  	s0 =	sshra.s32 s0, $0x2  }
.Ltmp7:
0x8d: {  	(pc) =	sbr.rel .LBB2_11-.Ltmp7, $3  }
0x8e: {  	_ =	sdelay $0x1  }
0x8f: {  	s24 =	simm.s32 $0x0  }
0x90: {  	[tilespmem:s0+$0x4000] =	vst v1;
	s31 =	simm.s32 $0x0;
	s29 =	simm.s32 $0x0;
	s26 =	simm.s32 $0x0  }
.LBB2_17:
0x91: {  	s26 =	sadd.s32 $0x1, s26  }
0x92: {  	p0 =	sne.s32 s26, $0x20  }
.Ltmp8:
0x93: {  	_ = 	snop;
	(pc) =	sbr.rel @!p0 .LBB2_18-.Ltmp8, $2  }
0x94: {  	_ =	sdelay $0x2  }
0x95: {  	s31 =	sadd.s32 $0x800, s31  }
.LBB2_11:
0x96: {  	s0 =	sshll.u32 s26, $0x8  }
0x97: {  	s0 =	sadd.s32 s6, s0  }
0x98: {  	[tilespmem:s24], [sflag:$0x4] =	stream.linear.gather [hbm4b:s0+s24], $0x800, $0x38;
	[tilespmem:$0x1C800] =	vst v63  }
0x99: {  	_ =	swait.ge [sflag:s21], $0x800  }
0x9a: {  	[sflag:s21] =	ssyncset.done $0x0  }
0x9b: {  	s30 =	simm.s32 $0x0;
	[sflag:s21] =	ssyncadd.s32 $0xFFFFF800  }
0x9c: {  	v6 =	vld [tilespmem:s30+$0x70]  }
0x9d: {  	v8 =	vld [tilespmem:s30+$0x0]  }
0x9e: {  	v10 =	vld [tilespmem:s30+$0x10]  }
0x9f: {  	v18 =	vld [tilespmem:s30+$0x20]  }
0xa0: {  	v16 =	vld [tilespmem:s30+$0x30]  }
0xa1: {  	v7 =	vimm.s32 $0x0;
	v11 =	vimm.s32 $0x0;
	v9 =	vld [tilespmem:s30+$0x40]  }
0xa2: {  	v14 =	vimm.s32 $0x0;
	v12 =	vld [tilespmem:s30+$0x50];
	v6 =	vadd.s32 v7, v6;
	v13 =	vadd.s32 v7, v8  }
0xa3: {  	s28 =	smov.u32 s29;
	s12 =	simm.s32 $0x80;
	s25 =	simm.s32 $0x400;
	v17 =	vld [tilespmem:s30+$0x60];
	v15 =	vadd.s32 v7, v10;
	v10 =	vimm.s32 $0x0;
	v8 =	vimm.s32 $0x0  }
.LBB2_12:
0xa4: {  	p0 =	sne.s32 s25, $0x1E00;
	v19 =	vld [tilespmem:s12+$0x70];
	v7 =	vadd.s32 v7, v18  }
0xa5: {  	v20 =	vld [tilespmem:s12+$0x0];
	v11 =	vadd.s32 v11, v16  }
0xa6: {  	v21 =	vld [tilespmem:s12+$0x10];
	v14 =	vadd.s32 v14, v9  }
.Ltmp9:
0xa7: {  	v18 =	vld [tilespmem:s12+$0x20];
	v10 =	vadd.s32 v10, v12;
	(pc) =	sbr.rel @p0 .LBB2_12-.Ltmp9, $4  }
0xa8: {  	v16 =	vld [tilespmem:s12+$0x30];
	v8 =	vadd.s32 v8, v17  }
0xa9: {  	v9 =	vld [tilespmem:s12+$0x40];
	v6 =	vadd.s32 v6, v19  }
0xaa: {  	v13 =	vadd.s32 v13, v20;
	v12 =	vld [tilespmem:s12+$0x50]  }
0xab: {  	v15 =	vadd.s32 v15, v21;
	v17 =	vld [tilespmem:s12+$0x60];
	s12 =	sshra.s32 s25, $0x2;
	s25 =	sadd.s32 $0x200, s25  }
0xac: {  	v19 =	vld [tilespmem:s12+$0x0]  }
0xad: {  	v20 =	vld [tilespmem:s12+$0x10]  }
0xae: {  	v21 =	vld [tilespmem:s12+$0x20]  }
0xaf: {  	v22 =	vld [tilespmem:s12+$0x30]  }
0xb0: {  	v23 =	vld [tilespmem:s12+$0x40]  }
0xb1: {  	v24 =	vld [tilespmem:s12+$0x50]  }
0xb2: {  	v7 =	vadd.s32 v7, v18;
	v62 =	vld [tilespmem:s12+$0x60];
	v13 =	vadd.s32 v13, v19;
	v15 =	vadd.s32 v15, v20  }
0xb3: {  	v63 =	vld [tilespmem:s12+$0x70];
	v11 =	vadd.s32 v11, v16;
	v7 =	vadd.s32 v7, v21;
	v13 =	vadd.s32 v13, v15  }
0xb4: {  	v9 =	vadd.s32 v14, v9;
	v11 =	vadd.s32 v11, v22;
	v7 =	vadd.s32 v7, v13  }
0xb5: {  	v10 =	vadd.s32 v10, v12;
	v9 =	vadd.s32 v9, v23;
	v7 =	vadd.s32 v11, v7  }
0xb6: {  	v8 =	vadd.s32 v8, v17;
	v10 =	vadd.s32 v10, v24;
	v7 =	vadd.s32 v9, v7  }
0xb7: {  	v8 =	vadd.s32 v8, v62;
	v7 =	vadd.s32 v10, v7  }
0xb8: {  	v6 =	vadd.s32 v6, v63;
	v7 =	vadd.s32 v8, v7  }
0xb9: {  	v6 =	vadd.s32 v6, v7  }
0xba: {  	(xrf0) =	vadd.scan.msk.s32 $0xffff, v6;
	_ =	sdelay $0x5  }
0xbb: {  	v6, _, _ =	vpop (xrf0)  }
0xbc: {  	(v2sf) =	vpush v6, $0xF;
	_ =	sdelay $0xe  }
0xbd: {  	s0 =	spop (v2sf)  }
0xbe: {  	p0 =	sge.s32 s28, s9;
	s29 =	sadd.s32 s28, s0  }
0xbf: {  	p1 =	sle.s32 @!p0 s29, s5  }
0xc0: {  	p0 =	por p0, p1  }
.Ltmp10:
0xc1: {  	_ = 	snop;
	(pc) =	sbr.rel @p0 .LBB2_17-.Ltmp10, $2  }
0xc2: {  	_ =	sdelay $0x2  }
0xc3: {  	s30 =	simm.s32 $0x0  }
0xc4: {  	s0 =	sshra.s32 s30, $0x2  }
0xc5: {  	v6 =	vld [tilespmem:s0+$0x0];
	_ =	sdelay $0x4  }
0xc6: {  	(xrf0) =	vadd.scan.msk.s32 $0xffff, v6;
	_ =	sdelay $0x3  }
0xc7: {  	s25 =	sadd.s32 s28, s30  }
0xc8: {  	s0 =	ssub.s32 s25, s5  }
0xc9: {  	v8 =	vsub.s32 s0, v6;
	v7, _, _ =	vpop (xrf0)  }
0xca: {  	v8 =	vadd.s32 v7, v8;
	v7 =	vxor.u32 $0x80000000, v7  }
0xcb: {  	(xrf0) =	vmax.scan.msk.u32 $0xffff, v7;
	_ =	sdelay $0x3  }
0xcc: {  	vm1 =	vne.s32 v6, $0x0;
	vm2 =	vlt.u32 v8, $0x800  }
0xcd: {  	vm1 =	vmand vm1, vm2  }
0xce: {  	v6, _, _ =	vpop (xrf0)  }
0xcf: {  	(v2sf) =	vpush v6, $0xF;
	_ =	sdelay $0x2  }
0xd0: {  	s2 =	sadd.s32 $0x40, s30;
	v7 =	vor.u32 s31, v0  }
0xd1: {  	s12 =	sadd.s32 $0x40, s2;
	s25 =	smov.u32 s31;
	s0 =	sshra.s32 s2, $0x2;
	[tilespmem:v8+s22+$0x0] =	vst.idx.msk vm1, v7  }
.LBB2_15:
0xd2: {  	p0 =	sne.s32 s12, $0x1FC0;
	v6 =	vld [tilespmem:s0+$0x0];
	_ =	sdelay $0x4  }
0xd3: {  	vm1 =	vne.s32 v6, $0x0;
	(xrf0) =	vadd.scan.msk.s32 $0xffff, v6;
	_ =	sdelay $0x4  }
0xd4: {  	s0 =	spop (v2sf)  }
0xd5: {  	v7, _, _ =	vpop (xrf0);
	s0 =	sadd.s32 s0, s30  }
0xd6: {  	v8 =	vxor.u32 $0x80000000, v7;
	s30 =	sadd.s32 $0x80000000, s0  }
0xd7: {  	s0 =	sadd.s32 s28, s30;
	(xrf0) =	vmax.scan.msk.u32 $0xffff, v8  }
0xd8: {  	s0 =	ssub.s32 s0, s5  }
0xd9: {  	v6 =	vsub.s32 s0, v6  }
0xda: {  	v6 =	vadd.s32 v7, v6  }
0xdb: {  	vm2 =	vlt.u32 v6, $0x800  }
0xdc: {  	vm1 =	vmand vm1, vm2  }
0xdd: {  	v7, _, _ =	vpop (xrf0)  }
.Ltmp11:
0xde: {  	(v2sf) =	vpush v7, $0xF;
	(pc) =	sbr.rel @p0 .LBB2_15-.Ltmp11, $4  }
0xdf: {  	_ = 	snop  }
0xe0: {  	s25 =	sadd.s32 $0x10, s25  }
0xe1: {  	v7 =	vor.u32 s25, v0  }
0xe2: {  	s0 =	sshra.s32 s12, $0x2;
	s12 =	sadd.s32 $0x40, s12;
	[tilespmem:v6+s22+$0x0] =	vst.idx.msk vm1, v7  }
0xe3: {  	v6 =	vld [tilespmem:s0+$0x0];
	_ =	sdelay $0x4  }
0xe4: {  	(xrf0) =	vadd.scan.msk.s32 $0xffff, v6;
	_ =	sdelay $0x5  }
0xe5: {  	v7, _, _ =	vpop (xrf0)  }
0xe6: {  	v8 =	vxor.u32 $0x80000000, v7  }
0xe7: {  	(xrf0) =	vmax.scan.msk.u32 $0xffff, v8;
	_ =	sdelay $0x5  }
0xe8: {  	v8, _, _ =	vpop (xrf0)  }
0xe9: {  	(v2sf) =	vpush v8, $0xF  }
0xea: {  	s19 =	spop (v2sf)  }
0xeb: {  	s0 =	sadd.s32 s19, s30  }
0xec: {  	s0 =	sadd.s32 $0x80000000, s0  }
0xed: {  	s0 =	sadd.s32 s28, s0  }
0xee: {  	s0 =	ssub.s32 s0, s5  }
0xef: {  	v63 =	vsub.s32 s0, v6  }
0xf0: {  	v7 =	vadd.s32 v7, v63  }
0xf1: {  	vm1 =	vne.s32 v6, $0x0;
	vm2 =	vlt.u32 v7, $0x800  }
0xf2: {  	vm1 =	vmand vm1, vm2;
	_ =	sdelay $0x1  }
.Ltmp12:
0xf3: {  	_ = 	snop;
	(pc) =	sbr.rel .LBB2_17-.Ltmp12, $4  }
0xf4: {  	_ = 	snop  }
0xf5: {  	s28 =	sadd.s32 $0x10, s25  }
0xf6: {  	v6 =	vor.u32 s28, v0  }
0xf7: {  	[tilespmem:v7+s22+$0x0] =	vst.idx.msk vm1, v6;
	s30 =	spop (v2sf)  }
.LBB2_18:
0xf8: {  	s0 =	sand.u32 $0x7F, s10  }
0xf9: {  	p0 =	slt.s32 s23, $0x1;
	p1 =	sne.s32 s0, $0x0  }
0xfa: {  	p0 =	por !p0, !p1  }
0xfb: {  	s0 =	simm.s32 $0x1;
	p0 =	por !p0, !p0  }
0xfc: {  	[dreg:$0xc] =	wrdreg s8;
	s2 =	sshrl.u32 s10, $0x7;
	s0 =	simm.s32 @!p0 $0x0  }
0xfd: {  	[dreg:$0xe] =	wrdreg s10;
	s0 =	ssub.s32 s2, s0  }
0xfe: {  	s12 =	simm.s32 $0x6000;
	s28 =	simm.s32 $0x6800;
	p0 =	slt.s32 s0, $0x1  }
.Ltmp13:
0xff: {  	s29 =	simm.s32 $0x7000;
	s30 =	simm.s32 $0x7800;
	(pc) =	sbr.rel @p0 .LBB2_21-.Ltmp13, $4  }
0x100: {  	s31 =	simm.s32 $0x8000;
	s8 =	simm.s32 $0xA800;
	s10 =	simm.s32 $0xB000  }
0x101: {  	s23 =	simm.s32 $0xB800;
	s19 =	simm.s32 $0xA000;
	s14 =	simm.s32 $0x9800  }
0x102: {  	s11 =	simm.s32 $0x9000;
	s15 =	simm.s32 $0xC000;
	s9 =	simm.s32 $0x8800  }
0x103: {  	s2 =	simm.s32 $0x5800;
	[dreg:$0xf] =	wrdreg s0;
	s0 =	simm.s32 $0x5000  }
0x104: {  	s24 =	rddreg [dreg:$0xf]  }
0x105: {  	s25 =	simm.s32 $0x4040;
	s26 =	rddreg [dreg:$0xa];
	s24 =	ssub.s32 $0x0, s24  }
.LBB2_20:
0x106: {  	v6 =	vld [tilespmem:s25+$0xFFFFFFC0];
	_ =	sdelay $0x4  }
0x107: {  	v7 =	vshll.u32 v6, $0x1  }
0x108: {  	v6 =	vand.u32 $0x7, v6;
	v7 =	vand.u32 $0xFFFFFFF0, v7  }
0x109: {  	v6 =	vor.u32 v6, v7  }
0x10a: {  	v7 =	vperm.xlane v6, v2;
	_ =	sdelay $0x1  }
0x10b: {  	v6 =	vperm.xlane v6, v4;
	v7 =	vadd.s32 v3, v7;
	_ =	sdelay $0x1  }
0x10c: {  	v6 =	vadd.s32 v3, v6;
	_ =	sdelay $0x2  }
0x10d: {  	[tilespmem:s18], [sflag:$0x1] =	stream.indirect_vreg.gather [hbm4b:s1+s4], $0x80, v7, vm0, $0xb8;
	[tilespmem:$0x1C800] =	vst v63  }
0x10e: {  	_ = 	snop  }
0x10f: {  	[tilespmem:s0], [sflag:$0x1] =	stream.indirect_vreg.gather [hbm4b:s1+s4], $0x80, v6, vm0, $0xb8;
	[tilespmem:$0x1C800] =	vst v63  }
0x110: {  	v6 =	vld [tilespmem:s25+$0xFFFFFFD0];
	_ =	sdelay $0x4  }
0x111: {  	v7 =	vshll.u32 v6, $0x1  }
0x112: {  	v6 =	vand.u32 $0x7, v6;
	v7 =	vand.u32 $0xFFFFFFF0, v7  }
0x113: {  	v6 =	vor.u32 v6, v7  }
0x114: {  	v7 =	vperm.xlane v6, v2;
	_ =	sdelay $0x1  }
0x115: {  	v6 =	vperm.xlane v6, v4;
	v7 =	vadd.s32 v3, v7;
	_ =	sdelay $0x1  }
0x116: {  	v6 =	vadd.s32 v3, v6;
	_ =	sdelay $0x2  }
0x117: {  	[tilespmem:s2], [sflag:$0x1] =	stream.indirect_vreg.gather [hbm4b:s1+s4], $0x80, v7, vm0, $0xb8;
	[tilespmem:$0x1C800] =	vst v63  }
0x118: {  	_ = 	snop  }
0x119: {  	[tilespmem:s12], [sflag:$0x1] =	stream.indirect_vreg.gather [hbm4b:s1+s4], $0x80, v6, vm0, $0xb8;
	[tilespmem:$0x1C800] =	vst v63  }
0x11a: {  	v6 =	vld [tilespmem:s25+$0xFFFFFFE0];
	_ =	sdelay $0x4  }
0x11b: {  	v7 =	vshll.u32 v6, $0x1  }
0x11c: {  	v6 =	vand.u32 $0x7, v6;
	v7 =	vand.u32 $0xFFFFFFF0, v7  }
0x11d: {  	v6 =	vor.u32 v6, v7  }
0x11e: {  	v7 =	vperm.xlane v6, v2;
	_ =	sdelay $0x1  }
0x11f: {  	v6 =	vperm.xlane v6, v4;
	v7 =	vadd.s32 v3, v7;
	_ =	sdelay $0x1  }
0x120: {  	v6 =	vadd.s32 v3, v6;
	_ =	sdelay $0x2  }
0x121: {  	[tilespmem:s28], [sflag:$0x1] =	stream.indirect_vreg.gather [hbm4b:s1+s4], $0x80, v7, vm0, $0xb8;
	[tilespmem:$0x1C800] =	vst v63  }
0x122: {  	_ = 	snop  }
0x123: {  	[tilespmem:s29], [sflag:$0x1] =	stream.indirect_vreg.gather [hbm4b:s1+s4], $0x80, v6, vm0, $0xb8;
	[tilespmem:$0x1C800] =	vst v63  }
0x124: {  	v6 =	vld [tilespmem:s25+$0xFFFFFFF0];
	_ =	sdelay $0x4  }
0x125: {  	v7 =	vshll.u32 v6, $0x1  }
0x126: {  	v6 =	vand.u32 $0x7, v6;
	v7 =	vand.u32 $0xFFFFFFF0, v7  }
0x127: {  	v6 =	vor.u32 v6, v7  }
0x128: {  	v7 =	vperm.xlane v6, v2;
	_ =	sdelay $0x1  }
0x129: {  	v6 =	vperm.xlane v6, v4;
	v7 =	vadd.s32 v3, v7;
	_ =	sdelay $0x1  }
0x12a: {  	v6 =	vadd.s32 v3, v6;
	_ =	sdelay $0x2  }
0x12b: {  	[tilespmem:s30], [sflag:$0x1] =	stream.indirect_vreg.gather [hbm4b:s1+s4], $0x80, v7, vm0, $0xb8;
	[tilespmem:$0x1C800] =	vst v63  }
0x12c: {  	_ = 	snop  }
0x12d: {  	[tilespmem:s31], [sflag:$0x1] =	stream.indirect_vreg.gather [hbm4b:s1+s4], $0x80, v6, vm0, $0xb8;
	[tilespmem:$0x1C800] =	vst v63  }
0x12e: {  	v6 =	vld [tilespmem:s25+$0x0];
	_ =	sdelay $0x4  }
0x12f: {  	v7 =	vshll.u32 v6, $0x1  }
0x130: {  	v6 =	vand.u32 $0x7, v6;
	v7 =	vand.u32 $0xFFFFFFF0, v7  }
0x131: {  	v6 =	vor.u32 v6, v7  }
0x132: {  	v7 =	vperm.xlane v6, v2;
	_ =	sdelay $0x1  }
0x133: {  	v6 =	vperm.xlane v6, v4;
	v7 =	vadd.s32 v3, v7;
	_ =	sdelay $0x1  }
0x134: {  	v6 =	vadd.s32 v3, v6;
	_ =	sdelay $0x2  }
0x135: {  	[tilespmem:s9], [sflag:$0x1] =	stream.indirect_vreg.gather [hbm4b:s1+s4], $0x80, v7, vm0, $0xb8;
	[tilespmem:$0x1C800] =	vst v63  }
0x136: {  	_ = 	snop  }
0x137: {  	[tilespmem:s11], [sflag:$0x1] =	stream.indirect_vreg.gather [hbm4b:s1+s4], $0x80, v6, vm0, $0xb8;
	[tilespmem:$0x1C800] =	vst v63  }
0x138: {  	v6 =	vld [tilespmem:s25+$0x10];
	_ =	sdelay $0x4  }
0x139: {  	v7 =	vshll.u32 v6, $0x1  }
0x13a: {  	v6 =	vand.u32 $0x7, v6;
	v7 =	vand.u32 $0xFFFFFFF0, v7  }
0x13b: {  	v6 =	vor.u32 v6, v7  }
0x13c: {  	v7 =	vperm.xlane v6, v2;
	_ =	sdelay $0x1  }
0x13d: {  	v6 =	vperm.xlane v6, v4;
	v7 =	vadd.s32 v3, v7;
	_ =	sdelay $0x1  }
0x13e: {  	v6 =	vadd.s32 v3, v6;
	_ =	sdelay $0x2  }
0x13f: {  	[tilespmem:s14], [sflag:$0x1] =	stream.indirect_vreg.gather [hbm4b:s1+s4], $0x80, v7, vm0, $0xb8;
	[tilespmem:$0x1C800] =	vst v63  }
0x140: {  	_ = 	snop  }
0x141: {  	[tilespmem:s19], [sflag:$0x1] =	stream.indirect_vreg.gather [hbm4b:s1+s4], $0x80, v6, vm0, $0xb8;
	[tilespmem:$0x1C800] =	vst v63  }
0x142: {  	v6 =	vld [tilespmem:s25+$0x20];
	_ =	sdelay $0x4  }
0x143: {  	v7 =	vshll.u32 v6, $0x1  }
0x144: {  	v6 =	vand.u32 $0x7, v6;
	v7 =	vand.u32 $0xFFFFFFF0, v7  }
0x145: {  	v6 =	vor.u32 v6, v7  }
0x146: {  	v7 =	vperm.xlane v6, v2;
	_ =	sdelay $0x1  }
0x147: {  	v6 =	vperm.xlane v6, v4;
	v7 =	vadd.s32 v3, v7;
	_ =	sdelay $0x1  }
0x148: {  	v6 =	vadd.s32 v3, v6;
	_ =	sdelay $0x2  }
0x149: {  	[tilespmem:s8], [sflag:$0x1] =	stream.indirect_vreg.gather [hbm4b:s1+s4], $0x80, v7, vm0, $0xb8;
	[tilespmem:$0x1C800] =	vst v63  }
0x14a: {  	_ = 	snop  }
0x14b: {  	[tilespmem:s10], [sflag:$0x1] =	stream.indirect_vreg.gather [hbm4b:s1+s4], $0x80, v6, vm0, $0xb8;
	[tilespmem:$0x1C800] =	vst v63  }
0x14c: {  	v6 =	vld [tilespmem:s25+$0x30];
	_ =	sdelay $0x4  }
0x14d: {  	v7 =	vshll.u32 v6, $0x1  }
0x14e: {  	v6 =	vand.u32 $0x7, v6;
	v7 =	vand.u32 $0xFFFFFFF0, v7  }
0x14f: {  	v6 =	vor.u32 v6, v7  }
0x150: {  	v7 =	vperm.xlane v6, v2;
	_ =	sdelay $0x1  }
0x151: {  	v6 =	vperm.xlane v6, v4;
	v7 =	vadd.s32 v3, v7;
	_ =	sdelay $0x1  }
0x152: {  	v6 =	vadd.s32 v3, v6;
	_ =	sdelay $0x2  }
0x153: {  	[tilespmem:s23], [sflag:$0x1] =	stream.indirect_vreg.gather [hbm4b:s1+s4], $0x80, v7, vm0, $0xb8;
	[tilespmem:$0x1C800] =	vst v63  }
0x154: {  	_ = 	snop  }
0x155: {  	[tilespmem:s15], [sflag:$0x1] =	stream.indirect_vreg.gather [hbm4b:s1+s4], $0x80, v6, vm0, $0xb8;
	[tilespmem:$0x1C800] =	vst v63  }
0x156: {  	s24 =	sadd.s32 $0x1, s24;
	_ =	swait.ge [sflag:s16], $0x8000  }
0x157: {  	p0 =	seq.s32 s24, $0x0;
	[sflag:s16] =	ssyncset.done $0x0  }
.Ltmp14:
0x158: {  	[sflag:s16] =	ssyncadd.s32 $0xFFFF8000;
	(pc) =	sbr.rel @!p0 .LBB2_20-.Ltmp14, $4  }
0x159: {  	[hbm4b:s26+s4] =	stream.linear.scatter [tilespmem:s18], [sflag:$0x2], $0x8000, $0x38;
	[tilespmem:$0x1C800] =	vst v63  }
0x15a: {  	_ =	swait.ge [sflag:s20], $0x8000  }
0x15b: {  	[sflag:s20] =	ssyncset.done $0x0  }
0x15c: {  	s25 =	sadd.s32 $0x80, s25;
	s26 =	sadd.s32 $0x1000, s26;
	[sflag:s20] =	ssyncadd.s32 $0xFFFF8000  }
.LBB2_21:
0x15d: {  	s25 =	rddreg [dreg:$0xf]  }
0x15e: {  	s0 =	rddreg [dreg:$0xe];
	s24 =	sshll.u32 s25, $0x7  }
0x15f: {  	s12 =	ssub.s32 s0, s24  }
0x160: {  	p0 =	slt.s32 s12, $0x1  }
.Ltmp15:
0x161: {  	_ = 	snop;
	(pc) =	sbr.rel @p0 .LBB2_27-.Ltmp15, $4  }
0x162: {  	s11 =	simm.s32 $0x9000  }
0x163: {  	s26 =	simm.s32 $0x6000;
	s15 =	simm.s32 $0x5800;
	s2 =	simm.s32 $0x5000  }
0x164: {  	s14 =	simm.s32 $0xA000;
	s8 =	simm.s32 $0xA800;
	s10 =	simm.s32 $0xB000  }
0x165: {  	s19 =	simm.s32 $0xB800;
	s23 =	simm.s32 $0xC000;
	s9 =	rddreg [dreg:$0xd]  }
0x166: {  	s0 =	sshll.u32 s25, $0x9  }
0x167: {  	s25 =	sshra.s32 s0, $0x2  }
0x168: {  	v6 =	vld [tilespmem:s25+$0x4000];
	_ =	sdelay $0x4  }
0x169: {  	v7 =	vshll.u32 v6, $0x1  }
0x16a: {  	v6 =	vand.u32 $0x7, v6;
	v7 =	vand.u32 $0xFFFFFFF0, v7  }
0x16b: {  	v6 =	vor.u32 v6, v7  }
0x16c: {  	v7 =	vperm.xlane v6, v2;
	_ =	sdelay $0x1  }
0x16d: {  	v6 =	vperm.xlane v6, v4;
	v7 =	vadd.s32 v3, v7;
	_ =	sdelay $0x1  }
0x16e: {  	v6 =	vadd.s32 v3, v6;
	_ =	sdelay $0x2  }
0x16f: {  	[tilespmem:s18], [sflag:$0x1] =	stream.indirect_vreg.gather [hbm4b:s1+s4], $0x80, v7, vm0, $0xb8;
	[tilespmem:$0x1C800] =	vst v63  }
0x170: {  	_ = 	snop  }
0x171: {  	[tilespmem:s2], [sflag:$0x1] =	stream.indirect_vreg.gather [hbm4b:s1+s4], $0x80, v6, vm0, $0xb8;
	[tilespmem:$0x1C800] =	vst v63  }
0x172: {  	v6 =	vld [tilespmem:s25+$0x4010];
	_ =	sdelay $0x4  }
0x173: {  	v7 =	vshll.u32 v6, $0x1  }
0x174: {  	v6 =	vand.u32 $0x7, v6;
	v7 =	vand.u32 $0xFFFFFFF0, v7  }
0x175: {  	v6 =	vor.u32 v6, v7  }
0x176: {  	v7 =	vperm.xlane v6, v2;
	_ =	sdelay $0x1  }
0x177: {  	v6 =	vperm.xlane v6, v4;
	v7 =	vadd.s32 v3, v7;
	_ =	sdelay $0x1  }
0x178: {  	v6 =	vadd.s32 v3, v6;
	_ =	sdelay $0x2  }
0x179: {  	[tilespmem:s15], [sflag:$0x1] =	stream.indirect_vreg.gather [hbm4b:s1+s4], $0x80, v7, vm0, $0xb8;
	[tilespmem:$0x1C800] =	vst v63  }
0x17a: {  	_ = 	snop  }
0x17b: {  	[tilespmem:s26], [sflag:$0x1] =	stream.indirect_vreg.gather [hbm4b:s1+s4], $0x80, v6, vm0, $0xb8;
	[tilespmem:$0x1C800] =	vst v63  }
0x17c: {  	v6 =	vld [tilespmem:s25+$0x4020];
	_ =	sdelay $0x4  }
0x17d: {  	v7 =	vshll.u32 v6, $0x1  }
0x17e: {  	v6 =	vand.u32 $0x7, v6;
	v7 =	vand.u32 $0xFFFFFFF0, v7  }
0x17f: {  	v6 =	vor.u32 v6, v7  }
0x180: {  	v7 =	vperm.xlane v6, v2;
	_ =	sdelay $0x1  }
0x181: {  	v6 =	vperm.xlane v6, v4;
	v7 =	vadd.s32 v3, v7;
	_ =	sdelay $0x1  }
0x182: {  	v6 =	vadd.s32 v3, v6;
	_ =	sdelay $0x2  }
0x183: {  	[tilespmem:s28], [sflag:$0x1] =	stream.indirect_vreg.gather [hbm4b:s1+s4], $0x80, v7, vm0, $0xb8;
	[tilespmem:$0x1C800] =	vst v63  }
0x184: {  	_ = 	snop  }
0x185: {  	[tilespmem:s29], [sflag:$0x1] =	stream.indirect_vreg.gather [hbm4b:s1+s4], $0x80, v6, vm0, $0xb8;
	[tilespmem:$0x1C800] =	vst v63  }
0x186: {  	v6 =	vld [tilespmem:s25+$0x4030];
	_ =	sdelay $0x4  }
0x187: {  	v7 =	vshll.u32 v6, $0x1  }
0x188: {  	v6 =	vand.u32 $0x7, v6;
	v7 =	vand.u32 $0xFFFFFFF0, v7  }
0x189: {  	v6 =	vor.u32 v6, v7  }
0x18a: {  	v7 =	vperm.xlane v6, v2;
	_ =	sdelay $0x1  }
0x18b: {  	v6 =	vperm.xlane v6, v4;
	v7 =	vadd.s32 v3, v7;
	_ =	sdelay $0x1  }
0x18c: {  	v6 =	vadd.s32 v3, v6;
	_ =	sdelay $0x2  }
0x18d: {  	[tilespmem:s30], [sflag:$0x1] =	stream.indirect_vreg.gather [hbm4b:s1+s4], $0x80, v7, vm0, $0xb8;
	[tilespmem:$0x1C800] =	vst v63  }
0x18e: {  	_ = 	snop  }
0x18f: {  	[tilespmem:s31], [sflag:$0x1] =	stream.indirect_vreg.gather [hbm4b:s1+s4], $0x80, v6, vm0, $0xb8;
	[tilespmem:$0x1C800] =	vst v63  }
0x190: {  	v6 =	vld [tilespmem:s25+$0x4040];
	_ =	sdelay $0x4  }
0x191: {  	v7 =	vshll.u32 v6, $0x1  }
0x192: {  	v6 =	vand.u32 $0x7, v6;
	v7 =	vand.u32 $0xFFFFFFF0, v7  }
0x193: {  	v6 =	vor.u32 v6, v7  }
0x194: {  	v7 =	vperm.xlane v6, v2;
	_ =	sdelay $0x1  }
0x195: {  	v6 =	vperm.xlane v6, v4;
	v7 =	vadd.s32 v3, v7;
	_ =	sdelay $0x1  }
0x196: {  	v6 =	vadd.s32 v3, v6;
	_ =	sdelay $0x1  }
0x197: {  	s30 =	simm.s32 $0x8800  }
0x198: {  	[tilespmem:s30], [sflag:$0x1] =	stream.indirect_vreg.gather [hbm4b:s1+s4], $0x80, v7, vm0, $0xb8;
	[tilespmem:$0x1C800] =	vst v63  }
0x199: {  	_ = 	snop  }
0x19a: {  	[tilespmem:s11], [sflag:$0x1] =	stream.indirect_vreg.gather [hbm4b:s1+s4], $0x80, v6, vm0, $0xb8;
	[tilespmem:$0x1C800] =	vst v63  }
0x19b: {  	v6 =	vld [tilespmem:s25+$0x4050];
	_ =	sdelay $0x4  }
0x19c: {  	v7 =	vshll.u32 v6, $0x1  }
0x19d: {  	v6 =	vand.u32 $0x7, v6;
	v7 =	vand.u32 $0xFFFFFFF0, v7  }
0x19e: {  	v6 =	vor.u32 v6, v7  }
0x19f: {  	v7 =	vperm.xlane v6, v2;
	_ =	sdelay $0x1  }
0x1a0: {  	v6 =	vperm.xlane v6, v4;
	v7 =	vadd.s32 v3, v7;
	_ =	sdelay $0x1  }
0x1a1: {  	v6 =	vadd.s32 v3, v6;
	_ =	sdelay $0x1  }
0x1a2: {  	s31 =	simm.s32 $0x9800  }
0x1a3: {  	[tilespmem:s31], [sflag:$0x1] =	stream.indirect_vreg.gather [hbm4b:s1+s4], $0x80, v7, vm0, $0xb8;
	[tilespmem:$0x1C800] =	vst v63  }
0x1a4: {  	_ = 	snop  }
0x1a5: {  	[tilespmem:s14], [sflag:$0x1] =	stream.indirect_vreg.gather [hbm4b:s1+s4], $0x80, v6, vm0, $0xb8;
	[tilespmem:$0x1C800] =	vst v63  }
0x1a6: {  	v6 =	vld [tilespmem:s25+$0x4060];
	_ =	sdelay $0x4  }
0x1a7: {  	v7 =	vshll.u32 v6, $0x1  }
0x1a8: {  	v6 =	vand.u32 $0x7, v6;
	v7 =	vand.u32 $0xFFFFFFF0, v7  }
0x1a9: {  	v6 =	vor.u32 v6, v7  }
0x1aa: {  	v7 =	vperm.xlane v6, v2;
	_ =	sdelay $0x1  }
0x1ab: {  	v6 =	vperm.xlane v6, v4;
	v7 =	vadd.s32 v3, v7;
	_ =	sdelay $0x1  }
0x1ac: {  	v6 =	vadd.s32 v3, v6;
	_ =	sdelay $0x2  }
0x1ad: {  	[tilespmem:s8], [sflag:$0x1] =	stream.indirect_vreg.gather [hbm4b:s1+s4], $0x80, v7, vm0, $0xb8;
	[tilespmem:$0x1C800] =	vst v63  }
0x1ae: {  	_ = 	snop  }
0x1af: {  	[tilespmem:s10], [sflag:$0x1] =	stream.indirect_vreg.gather [hbm4b:s1+s4], $0x80, v6, vm0, $0xb8;
	[tilespmem:$0x1C800] =	vst v63  }
0x1b0: {  	v6 =	vld [tilespmem:s25+$0x4070];
	_ =	sdelay $0x4  }
0x1b1: {  	v7 =	vshll.u32 v6, $0x1  }
0x1b2: {  	v6 =	vand.u32 $0x7, v6;
	v7 =	vand.u32 $0xFFFFFFF0, v7  }
0x1b3: {  	v6 =	vor.u32 v6, v7  }
0x1b4: {  	v7 =	vperm.xlane v6, v2;
	_ =	sdelay $0x1  }
0x1b5: {  	v6 =	vperm.xlane v6, v4;
	v7 =	vadd.s32 v3, v7;
	_ =	sdelay $0x1  }
0x1b6: {  	v6 =	vadd.s32 v3, v6;
	_ =	sdelay $0x1  }
0x1b7: {  	p0 =	sgt.u32 s12, $0x7F  }
0x1b8: {  	[tilespmem:s19], [sflag:$0x1] =	stream.indirect_vreg.gather [hbm4b:s1+s4], $0x80, v7, vm0, $0xb8;
	[tilespmem:$0x1C800] =	vst v63  }
.Ltmp16:
0x1b9: {  	_ = 	snop;
	(pc) =	sbr.rel @p0 .LBB2_26-.Ltmp16, $4  }
0x1ba: {  	[tilespmem:s23], [sflag:$0x1] =	stream.indirect_vreg.gather [hbm4b:s1+s4], $0x80, v6, vm0, $0xb8;
	[tilespmem:$0x1C800] =	vst v63  }
0x1bb: {  	_ =	swait.ge [sflag:s16], $0x8000  }
0x1bc: {  	[sflag:s16] =	ssyncset.done $0x0  }
0x1bd: {  	[sflag:s16] =	ssyncadd.s32 $0xFFFF8000  }
0x1be: {  	s0 =	rddreg [dreg:$0xb]  }
0x1bf: {  	s0 =	sadd.s32 s13, s0  }
0x1c0: {  	s0 =	sadd.s32 s7, s0  }
0x1c1: {  	p0 =	sgt.s32 s0, $0x0  }
0x1c2: {  	s8 =	rddreg [dreg:$0xf];
	s0 =	simm.s32 @!p0 $0x0  }
0x1c3: {  	s26 =	sshll.u32 s8, $0xE;
	s0 =	smin.u32 s0, $0x800  }
0x1c4: {  	s15 =	sshll.u32 s8, $0xF;
	s2 =	sshll.u32 s0, $0x7;
	s28 =	sshll.u32 s0, $0x8  }
0x1c5: {  	s2 =	ssub.s32 s2, s26;
	s15 =	ssub.s32 s28, s15  }
0x1c6: {  	s29 =	sand.u32 $0x7FFFF800, s15;
	s30 =	sand.u32 $0x380, s2  }
0x1c7: {  	s7 =	sor.u32 s30, s29  }
0x1c8: {  	[tilespmem:s7+$0x4C70] =	vst v5  }
0x1c9: {  	[tilespmem:s7+$0x4800] =	vst v5  }
0x1ca: {  	[tilespmem:s7+$0x4810] =	vst v5  }
0x1cb: {  	[tilespmem:s7+$0x4820] =	vst v5  }
0x1cc: {  	[tilespmem:s7+$0x4830] =	vst v5  }
0x1cd: {  	s31 =	sxor.u32 $0xFFFFFFFF, s24;
	[tilespmem:s7+$0x4840] =	vst v5  }
0x1ce: {  	s0 =	sadd.s32 s0, s31;
	[tilespmem:s7+$0x4850] =	vst v5  }
0x1cf: {  	s13 =	sadd.s32 $0x1, s0;
	[tilespmem:s7+$0x4860] =	vst v5  }
0x1d0: {  	p0 =	slt.s32 s13, $0x7F;
	[tilespmem:s7+$0x4870] =	vst v5  }
.Ltmp17:
0x1d1: {  	[tilespmem:s7+$0x4C00] =	vst v5;
	(pc) =	sbr.rel @!p0 .LBB2_25-.Ltmp17, $4  }
0x1d2: {  	[tilespmem:s7+$0x4C10] =	vst v5  }
0x1d3: {  	[tilespmem:s7+$0x4C20] =	vst v5  }
0x1d4: {  	[tilespmem:s7+$0x4C30] =	vst v5  }
0x1d5: {  	s25 =	sadd.s32 $0x80, s2;
	s26 =	sadd.s32 $0x100, s15;
	[tilespmem:s7+$0x4C40] =	vst v5  }
.LBB2_24:
0x1d6: {  	s0 =	sand.u32 $0x7FFFF800, s26;
	s2 =	sand.u32 $0x380, s25;
	s13 =	sadd.s32 $0x1, s13;
	[tilespmem:s7+$0x4C50] =	vst v5  }
0x1d7: {  	p0 =	slt.s32 s13, $0x7F;
	[tilespmem:s7+$0x4C60] =	vst v5;
	s7 =	sor.u32 s2, s0  }
0x1d8: {  	[tilespmem:s7+$0x4C70] =	vst v5  }
0x1d9: {  	[tilespmem:s7+$0x4800] =	vst v5  }
0x1da: {  	[tilespmem:s7+$0x4810] =	vst v5  }
0x1db: {  	[tilespmem:s7+$0x4820] =	vst v5  }
0x1dc: {  	[tilespmem:s7+$0x4830] =	vst v5  }
0x1dd: {  	[tilespmem:s7+$0x4840] =	vst v5  }
0x1de: {  	[tilespmem:s7+$0x4850] =	vst v5  }
0x1df: {  	[tilespmem:s7+$0x4860] =	vst v5  }
0x1e0: {  	[tilespmem:s7+$0x4870] =	vst v5  }
.Ltmp18:
0x1e1: {  	[tilespmem:s7+$0x4C00] =	vst v5;
	(pc) =	sbr.rel @p0 .LBB2_24-.Ltmp18, $4  }
0x1e2: {  	[tilespmem:s7+$0x4C10] =	vst v5  }
0x1e3: {  	[tilespmem:s7+$0x4C20] =	vst v5  }
0x1e4: {  	[tilespmem:s7+$0x4C30] =	vst v5  }
0x1e5: {  	s25 =	sadd.s32 $0x80, s25;
	s26 =	sadd.s32 $0x100, s26;
	[tilespmem:s7+$0x4C40] =	vst v5  }
.LBB2_25:
0x1e6: {  	[tilespmem:s7+$0x4C50] =	vst v5  }
0x1e7: {  	[tilespmem:s7+$0x4C60] =	vst v5  }
.LBB2_26:
0x1e8: {  	s0 =	sadd.s32 s5, s24  }
0x1e9: {  	s0 =	sshll.u32 s0, $0x5  }
0x1ea: {  	s0 =	sadd.s32 s3, s0  }
0x1eb: {  	[hbm4b:s0+s4] =	stream.linear.scatter [tilespmem:s18], [sflag:$0x2], $0x8000, $0x38;
	[tilespmem:$0x1C800] =	vst v63  }
0x1ec: {  	_ =	swait.ge [sflag:s20], $0x8000  }
0x1ed: {  	[sflag:s20] =	ssyncset.done $0x0  }
0x1ee: {  	s25 =	rddreg [dreg:$0xf];
	[sflag:s20] =	ssyncadd.s32 $0xFFFF8000  }
.LBB2_27:
0x1ef: {  	p0 =	sgt.s32 s12, $0x0;
	s0 =	simm.s32 $0x1  }
0x1f0: {  	s0 =	simm.s32 @!p0 $0x0  }
0x1f1: {  	s7 =	sadd.s32 s0, s25  }
0x1f2: {  	p0 =	sgt.s32 s7, $0xF  }
.Ltmp19:
0x1f3: {  	_ = 	snop;
	(pc) =	sbr.rel @p0 .LBB2_33-.Ltmp19, $2  }
0x1f4: {  	_ =	sdelay $0x2  }
0x1f5: {  	s13 =	simm.s32 $0x0;
	s8 =	rddreg [dreg:$0xc]  }
0x1f6: {  	s0 =	sand.u32 $0x7800, s13;
	s2 =	sand.u32 $0x380, s13  }
0x1f7: {  	s12 =	sor.u32 s2, s0  }
0x1f8: {  	[tilespmem:s12+$0x4C70] =	vst v5  }
0x1f9: {  	[tilespmem:s12+$0x4800] =	vst v5  }
0x1fa: {  	[tilespmem:s12+$0x4810] =	vst v5  }
0x1fb: {  	[tilespmem:s12+$0x4820] =	vst v5  }
0x1fc: {  	[tilespmem:s12+$0x4830] =	vst v5  }
0x1fd: {  	[tilespmem:s12+$0x4840] =	vst v5  }
0x1fe: {  	[tilespmem:s12+$0x4850] =	vst v5  }
0x1ff: {  	[tilespmem:s12+$0x4860] =	vst v5  }
0x200: {  	[tilespmem:s12+$0x4870] =	vst v5  }
0x201: {  	[tilespmem:s12+$0x4C00] =	vst v5  }
0x202: {  	[tilespmem:s12+$0x4C10] =	vst v5  }
0x203: {  	[tilespmem:s12+$0x4C20] =	vst v5  }
0x204: {  	[tilespmem:s12+$0x4C30] =	vst v5  }
0x205: {  	s31 =	sadd.s32 $0x100, s13;
	s13 =	sadd.s32 $0x80, s13;
	[tilespmem:s12+$0x4C40] =	vst v5  }
0x206: {  	s24 =	sand.u32 $0x7800, s31;
	s0 =	sand.u32 $0x380, s13;
	s23 =	sadd.s32 $0x100, s31;
	[tilespmem:s12+$0x4C50] =	vst v5  }
.LBB2_29:
0x207: {  	p0 =	sne.s32 s23, $0x7F00;
	[tilespmem:s12+$0x4C60] =	vst v5;
	s12 =	sor.u32 s0, s24  }
0x208: {  	[tilespmem:s12+$0x4C70] =	vst v5  }
0x209: {  	[tilespmem:s12+$0x4800] =	vst v5  }
0x20a: {  	[tilespmem:s12+$0x4810] =	vst v5  }
0x20b: {  	[tilespmem:s12+$0x4820] =	vst v5  }
0x20c: {  	[tilespmem:s12+$0x4830] =	vst v5  }
0x20d: {  	[tilespmem:s12+$0x4840] =	vst v5  }
0x20e: {  	[tilespmem:s12+$0x4850] =	vst v5  }
0x20f: {  	[tilespmem:s12+$0x4860] =	vst v5  }
0x210: {  	[tilespmem:s12+$0x4870] =	vst v5  }
0x211: {  	[tilespmem:s12+$0x4C00] =	vst v5  }
.Ltmp20:
0x212: {  	[tilespmem:s12+$0x4C10] =	vst v5;
	(pc) =	sbr.rel @p0 .LBB2_29-.Ltmp20, $4  }
0x213: {  	[tilespmem:s12+$0x4C20] =	vst v5  }
0x214: {  	[tilespmem:s12+$0x4C30] =	vst v5  }
0x215: {  	s13 =	sadd.s32 $0x80, s13;
	[tilespmem:s12+$0x4C40] =	vst v5  }
0x216: {  	s24 =	sand.u32 $0x7800, s23;
	s23 =	sadd.s32 $0x100, s23;
	s0 =	sand.u32 $0x380, s13;
	[tilespmem:s12+$0x4C50] =	vst v5  }
0x217: {  	s0 =	sor.u32 s0, s24;
	[tilespmem:s12+$0x4C60] =	vst v5  }
0x218: {  	[tilespmem:s0+$0x4C70] =	vst v5  }
0x219: {  	[tilespmem:s0+$0x4800] =	vst v5  }
0x21a: {  	[tilespmem:s0+$0x4810] =	vst v5  }
0x21b: {  	[tilespmem:s0+$0x4820] =	vst v5  }
0x21c: {  	[tilespmem:s0+$0x4830] =	vst v5  }
0x21d: {  	[tilespmem:s0+$0x4840] =	vst v5  }
0x21e: {  	[tilespmem:s0+$0x4850] =	vst v5  }
0x21f: {  	[tilespmem:s0+$0x4860] =	vst v5  }
0x220: {  	[tilespmem:s0+$0x4870] =	vst v5  }
0x221: {  	[tilespmem:s0+$0x4C00] =	vst v5  }
0x222: {  	[tilespmem:s0+$0x4C10] =	vst v5  }
0x223: {  	s30 =	ssub.s32 $0x10, s7;
	[tilespmem:s0+$0x4C20] =	vst v5  }
0x224: {  	s2 =	sshll.u32 s7, $0xF;
	s29 =	rddreg [dreg:$0x7];
	[tilespmem:s0+$0x4C30] =	vst v5;
	p0 =	sne.s32 s30, $0x1  }
.Ltmp21:
0x225: {  	[tilespmem:s0+$0x4C40] =	vst v5;
	s2 =	sadd.s32 s2, s29;
	(pc) =	sbr.rel @!p0 .LBB2_32-.Ltmp21, $4  }
0x226: {  	[tilespmem:s0+$0x4C50] =	vst v5;
	s12 =	sshrl.u32 s2, $0x3  }
0x227: {  	[tilespmem:s0+$0x4C60] =	vst v5;
	s31 =	sadd.s32 s3, s12  }
0x228: {  	[hbm4b:s31+s4] =	stream.linear.scatter [tilespmem:s18], [sflag:$0x2], $0x8000, $0x38;
	[tilespmem:$0x1C800] =	vst v63  }
0x229: {  	s7 =	sadd.s32 $0xFFFFFFFF, s30;
	s12 =	sadd.s32 $0x8000, s2;
	_ =	swait.ge [sflag:s20], $0x8000  }
.LBB2_31:
0x22a: {  	s0 =	sshrl.u32 s12, $0x3;
	[sflag:s20] =	ssyncset.done $0x0;
	p0 =	sne.s32 s7, $0x1  }
.Ltmp22:
0x22b: {  	s0 =	sadd.s32 s3, s0;
	[sflag:s20] =	ssyncadd.s32 $0xFFFF8000;
	(pc) =	sbr.rel @p0 .LBB2_31-.Ltmp22, $3  }
0x22c: {  	[hbm4b:s0+s4] =	stream.linear.scatter [tilespmem:s18], [sflag:$0x2], $0x8000, $0x38;
	[tilespmem:$0x1C800] =	vst v63  }
0x22d: {  	s7 =	sadd.s32 $0xFFFFFFFF, s7;
	_ =	sdelay $0x1  }
0x22e: {  	s12 =	sadd.s32 $0x8000, s12;
	_ =	swait.ge [sflag:s20], $0x8000  }
.Ltmp23:
0x22f: {  	_ = 	snop;
	(pc) =	sbr.rel .LBB2_32-.Ltmp23, $1  }
0x230: {  	_ =	sdelay $0x3  }
.LBB2_34:
0x231: {  	_ =	sfence.sel $0x180000  }
0x232: {  	[bflag:$0x0] =	sbarrier.arrive $0xFFFF  }
0x233: {  	_ =	strace $0x90000047  }
0x234: {  	s0 =	stileid.u32;
	[bflag:$0x2] =	sbarrier.arrive $0xFFFF  }
0x235: {  	p0 =	sne.s32 s0, $0x0;
	s0 =	rddreg [dreg:$0x3]  }
0x236: {  	s0 =	sadd.s32 @!p0 $0x100000, s0  }
0x237: {  	[sflag:s0] =	ssyncadd.tile.s32 @!p0 $0x1;
	_ =	shalt  }
.Lfunc_end2:
_tile_overlayer_lowered:
.L_overlay_start_2:
0x238: {  	(tag) =	ssettag $0x2  }
0x239: {  	s0 =	rddreg [dreg:$0x0];
	s2 =	stileid.u32  }
0x23a: {  	s1 =	rddreg [dreg:$0x1];
	p0 =	sne.s32 s2, $0x0  }
0x23b: {  	s3 =	rddreg [dreg:$0x2];
	[bflag:$0x3] =	sbarrier.arrive $0xFFFF;
	s2 =	simm.s32 @!p0 $0x1C04  }
0x23c: {  	[timem:s3], [sflag:s2] =	dma.local @!p0 [hbm:s0], s1  }
0x23d: {  	s0 =	simm.s32 @!p0 $0x4  }
0x23e: {  	_ =	swait.ge @!p0 [sflag:s0], s1  }
0x23f: {  	s1 =	ssub.s32 @!p0 $0x0, s1;
	[sflag:s0] =	ssyncset.done @!p0 $0x0  }
0x240: {  	[sflag:s0] =	ssyncadd.s32 @!p0 s1  }
0x241: {  	[bflag:$0x3] =	sbarrier.arrive $0xFFFF  }
0x242: {  	_ =	shalt  }

</sc_bundles>
